<compile_context>
chip_gen: v7x
topology: tpu7x:2x2x1
jax: 0.10.2.dev20260603
libtpu: 0.0.44.dev20260713+nightly
codegen_flags: <defaults>
</compile_context>

<pallas_src>
import functools

import jax
import jax.numpy as jnp
from jax import lax
from jax.experimental import pallas as pl
from jax.experimental.pallas import tpu as pltpu
from jax.experimental.pallas import tpu_sc as plsc

N = 50000
D = 256
S = 6

NW = 32
NPAD = 50176
CH = NPAD // NW
SZ = 224
NSUB = CH // SZ

BN = 2000
_SC_MESH = plsc.VectorSubcoreMesh(core_axis_name="c", subcore_axis_name="s")


def _zero_buf(buf_ref):
    zeros = jnp.zeros((16,), jnp.float32)

    def body(i, _):
        base = i * 256
        for k in range(16):
            buf_ref[pl.ds(base + k * 16, 16)] = zeros
        return 0

    lax.fori_loop(0, SZ * D // 256, body, 0)


def _scatter_chunk(nb_ref, buf_ref):
    ones = jnp.ones((16,), jnp.float32)
    lane = lax.iota(jnp.int32, 16)

    def body(g, _):
        node0 = g * 16
        gather_base = node0 * S + lane * S
        row_base = (node0 + lane) * D
        for s in range(S):
            ids = plsc.load_gather(nb_ref, [gather_base + s])
            plsc.addupdate_scatter(buf_ref, [row_base + ids], ones)
        return 0

    lax.fori_loop(0, SZ // 16, body, 0)


@functools.partial(
    pl.kernel,
    mesh=_SC_MESH,
    compiler_params=pltpu.CompilerParams(needs_layout_passes=False),
    out_type=jax.ShapeDtypeStruct((NPAD * D,), jnp.float32),
    scratch_types=[
        pltpu.VMEM((SZ * S,), jnp.int32),
        pltpu.VMEM((SZ * S,), jnp.int32),
        pltpu.VMEM((SZ * D,), jnp.float32),
        pltpu.VMEM((SZ * D,), jnp.float32),
        pltpu.SemaphoreType.DMA,
        pltpu.SemaphoreType.DMA,
    ],
)
def _sc_counts(nb_hbm, out_hbm, nb_a, nb_b, buf_a, buf_b, sem_a, sem_b):
    wid = lax.axis_index("s") * 2 + lax.axis_index("c")
    base = wid * CH
    handles = [None] * NSUB
    for c in range(NSUB):
        nb_v = (nb_a, nb_b)[c % 2]
        buf_v = (buf_a, buf_b)[c % 2]
        sem = (sem_a, sem_b)[c % 2]
        row0 = base + c * SZ
        if c >= 2:
            handles[c - 2].wait()
        pltpu.sync_copy(nb_hbm.at[pl.ds(row0 * S, SZ * S)], nb_v)
        _zero_buf(buf_v)
        _scatter_chunk(nb_v, buf_v)
        handles[c] = pltpu.async_copy(
            buf_v, out_hbm.at[pl.ds(row0 * D, SZ * D)], sem)
    handles[NSUB - 2].wait()
    handles[NSUB - 1].wait()


def _project_tables_kernel(emb_ref, w0_ref, w1_ref, t0_ref, t1_ref,
                           w0a_ref, w1a_ref):
    emb = emb_ref[...]
    scale = 1.0 / S
    for w_ref, t_ref, wa_ref in ((w0_ref, t0_ref, w0a_ref),
                                 (w1_ref, t1_ref, w1a_ref)):
        wb = w_ref[:, D:]
        t = jax.lax.dot_general(
            emb, wb, (((1,), (1,)), ((), ())),
            preferred_element_type=jnp.float32,
            precision=jax.lax.Precision.HIGHEST,
        )
        t_ref[...] = (t * scale).astype(jnp.bfloat16)
        wa_ref[...] = w_ref[:, :D].astype(jnp.bfloat16)


def _sage_mm_kernel(x0_ref, cnt_ref, w0a_ref, w1a_ref, t0_ref, t1_ref, out_ref):
    counts = cnt_ref[...].astype(jnp.bfloat16)
    emb = x0_ref[...].astype(jnp.bfloat16)
    for layer, (wa_ref, t_ref) in enumerate(((w0a_ref, t0_ref),
                                             (w1a_ref, t1_ref))):
        h = jax.lax.dot_general(
            emb, wa_ref[...], (((1,), (1,)), ((), ())),
            preferred_element_type=jnp.float32,
        )
        h = h + jax.lax.dot_general(
            counts, t_ref[...], (((1,), (0,)), ((), ())),
            preferred_element_type=jnp.float32,
        )
        h = jnp.maximum(h, 0.0)
        if layer == 0:
            emb = h.astype(jnp.bfloat16)
    out_ref[...] = h


@jax.jit
def kernel(x0, emb_table, W0, W1, neighbors):
    nb = neighbors.astype(jnp.int32)
    nb_flat = jnp.pad(nb, ((0, NPAD - N), (0, 0))).reshape(-1)
    counts_flat = _sc_counts(nb_flat)
    counts = counts_flat.reshape(NPAD, D)

    t0, t1, w0a, w1a = pl.pallas_call(
        _project_tables_kernel,
        out_shape=(
            jax.ShapeDtypeStruct((D, D), jnp.bfloat16),
            jax.ShapeDtypeStruct((D, D), jnp.bfloat16),
            jax.ShapeDtypeStruct((D, D), jnp.bfloat16),
            jax.ShapeDtypeStruct((D, D), jnp.bfloat16),
        ),
    )(emb_table, W0, W1)

    grid = N // BN
    small = pl.BlockSpec((D, D), lambda i: (0, 0))
    out = pl.pallas_call(
        _sage_mm_kernel,
        grid=(grid,),
        in_specs=[
            pl.BlockSpec((BN, D), lambda i: (i, 0)),
            pl.BlockSpec((BN, D), lambda i: (i, 0)),
            small, small, small, small,
        ],
        out_specs=pl.BlockSpec((BN, D), lambda i: (i, 0)),
        out_shape=jax.ShapeDtypeStruct((N, D), jnp.float32),
    )(x0, counts, w0a, w1a, t0, t1)
    return out

# --- scband reference (transcript-rebuilt; emitter-appended) ---
"""Pipeline reference for scband-graph-sage-78125455114733 (READ-ONLY COPY).

The authoritative reference and input builder live on the scoring server;
editing this copy changes nothing except your own understanding.
"""

import jax, jax.numpy as jnp
import numpy as np

N = 50000   # number of seed nodes in the batch
D = 256     # in_channels == embedding rows == embedding dim (per module definition)
S = 6       # num_sample neighbors + self

def setup_inputs(seed: int = 0) -> dict:
    key = jax.random.key(seed)
    k1, k2, k3, k4, k5, k6 = jax.random.split(key, 6)
    # sampled neighborhoods (num_sample neighbors plus the node itself), ids < in_channels
    neighbors = jax.random.randint(k1, (N, S), 0, D, dtype=jnp.int64)
    # the module initializes embedding = torch.randn(len(nodes), in_channels) at layer 0;
    # we materialize that random init deterministically as x0
    x0 = jax.random.normal(k2, (N, D), dtype=jnp.float32)
    # nn.Embedding(in_channels, in_channels) default init ~ N(0, 1)
    emb_table = jax.random.normal(k3, (D, D), dtype=jnp.float32)
    # SageLayer weight [out_size, 2*input_size], xavier_uniform
    limit = float(np.sqrt(6.0 / (D + 2 * D)))
    W0 = jax.random.uniform(k4, (D, 2 * D), minval=-limit, maxval=limit, dtype=jnp.float32)
    W1 = jax.random.uniform(k5, (D, 2 * D), minval=-limit, maxval=limit, dtype=jnp.float32)
    return {"x0": x0, "emb_table": emb_table, "W0": W0, "W1": W1, "neighbors": neighbors}

def reference(x0, emb_table, W0, W1, neighbors):
    # GraphSage.forward with num_layers=2; aggregate() re-runs each layer over the
    # same seed nodes / sampled neighborhoods (as in the original code).
    emb = x0
    for W in (W0, W1):
        # aggregate: gather embedding-table rows for sampled neighbors (+self),
        # mean over the neighborhood (mask.div(num_neighbors) followed by mask.mm(embedding))
        neigh_feats = jnp.take(emb_table, neighbors, axis=0)   # [N, S, D] gather
        aggregated = jnp.mean(neigh_feats, axis=1)             # [N, D]
        # SageLayer: relu(W @ cat([features, aggregated], dim=1).T).T
        combined = jnp.concatenate([emb, aggregated], axis=1)  # [N, 2D]
        emb = jax.nn.relu(combined @ W.T)                      # [N, D]
    return emb

if __name__ == "__main__":
    import jax
    _d = setup_inputs()
    print(jax.jit(kernel)(*tuple(_d.values())))

</pallas_src>

<mosaic_0001>
#map = affine_map<(d0, d1) -> (0)>
module attributes {stable_mosaic.version = 14 : i64} {
  func.func @_sc_counts(%arg0: i32, %arg1: i32, %arg2: memref<301056xi32, #tpu.memory_space<hbm>>, %arg3: memref<12845056xf32, #tpu.memory_space<hbm>>, %arg4: memref<1344xi32, #tpu.memory_space<vmem>>, %arg5: memref<1344xi32, #tpu.memory_space<vmem>>, %arg6: memref<57344xf32, #tpu.memory_space<vmem>>, %arg7: memref<57344xf32, #tpu.memory_space<vmem>>, %arg8: memref<!tpu.dma_semaphore, #tpu.memory_space<semaphore_mem>>, %arg9: memref<!tpu.dma_semaphore, #tpu.memory_space<semaphore_mem>>) attributes {dimension_semantics = [#tpu.dimension_semantics<core_parallel>, #tpu.dimension_semantics<subcore_parallel>], iteration_bounds = array<i64: 2, 16>, scalar_prefetch = 0 : i64, scratch_operands = 6 : i64, tpu.core_type = #tpu.core_type<sc_vector_subcore>, window_params = [{transform_indices = #map}, {transform_indices = #map}]} {
    %mul3A = arith.constant 2 : i32
    %mul3A_0 = arith.muli %arg1, %mul3A : i32
    %add3A = arith.addi %mul3A_0, %arg0 : i32
    %mul3A_1 = arith.constant 1568 : i32
    %mul3A_2 = arith.muli %add3A, %mul3A_1 : i32
    %add3A_3 = arith.constant 0 : i32
    %add3A_4 = arith.addi %mul3A_2, %add3A_3 : i32
    %mul3A_5 = arith.constant 6 : i32
    %mul3A_6 = arith.muli %add3A_4, %mul3A_5 : i32
    "tpu.region"() ({
      %run_scoped3A = tpu.sem_alloc : memref<!tpu.dma_semaphore, #tpu.memory_space<semaphore_mem>>
      %dma_start3A_201 = tpu.memref_slice %arg2[%mul3A_6] : memref<301056xi32, #tpu.memory_space<hbm>> -> memref<1344xi32, #tpu.memory_space<hbm>>
      %dma_start3A_202 = tpu.memref_slice %arg2[%mul3A_6] : memref<301056xi32, #tpu.memory_space<hbm>> -> memref<1344xi32, #tpu.memory_space<hbm>>
      tpu.enqueue_dma source(%dma_start3A_202 : memref<1344xi32, #tpu.memory_space<hbm>>) target(%arg4 : memref<1344xi32, #tpu.memory_space<vmem>>) target_semaphore(%run_scoped3A : memref<!tpu.dma_semaphore, #tpu.memory_space<semaphore_mem>>)
      %dma_wait3A_203 = tpu.memref_slice %arg2[%mul3A_6] : memref<301056xi32, #tpu.memory_space<hbm>> -> memref<1344xi32, #tpu.memory_space<hbm>>
      %dma_wait3A_204 = tpu.memref_slice %arg2[%mul3A_6] : memref<301056xi32, #tpu.memory_space<hbm>> -> memref<1344xi32, #tpu.memory_space<hbm>>
      tpu.wait_dma2 semaphore(%run_scoped3A : memref<!tpu.dma_semaphore, #tpu.memory_space<semaphore_mem>>) src(%dma_wait3A_204 : memref<1344xi32, #tpu.memory_space<hbm>>) dst(%arg4 : memref<1344xi32, #tpu.memory_space<vmem>>)
      tpu.yield
    }) : () -> ()
    %broadcast_in_dim3A = arith.constant 0.000000e+00 : f32
    %broadcast_in_dim3A_7 = vector.broadcast %broadcast_in_dim3A : f32 to vector<16xf32>
    %scan3A = arith.constant 0 : i32
    %scan3A_8 = arith.constant 0 : i32
    %scan3A_9 = arith.constant 224 : i32
    %scan3A_10 = arith.addi %scan3A_8, %scan3A_9 : i32
    %scan3A_11 = arith.constant 1 : i32
    %scan3A_12 = scf.for %scan3A_201 = %scan3A_8 to %scan3A_10 step %scan3A_11 iter_args(%scan3A_202 = %scan3A) -> (i32)  : i32 {
      %mul3A_203 = arith.constant 256 : i32
      %mul3A_204 = arith.muli %scan3A_201, %mul3A_203 : i32
      %add3A_205 = arith.constant 0 : i32
      %add3A_206 = arith.addi %mul3A_204, %add3A_205 : i32
      %swap3A = arith.index_cast %add3A_206 : i32 to index
      %swap3A_207 = tpu.vector_load %arg6[%swap3A] {strides = array<i32>} : memref<57344xf32, #tpu.memory_space<vmem>>, vector<16xf32>,
      tpu.vector_store %arg6[%swap3A], %broadcast_in_dim3A_7 {strides = array<i32>} : memref<57344xf32, #tpu.memory_space<vmem>>, vector<16xf32>,
      %add3A_208 = arith.constant 16 : i32
      %add3A_209 = arith.addi %mul3A_204, %add3A_208 : i32
      %swap3A_210 = arith.index_cast %add3A_209 : i32 to index
      %swap3A_211 = tpu.vector_load %arg6[%swap3A_210] {strides = array<i32>} : memref<57344xf32, #tpu.memory_space<vmem>>, vector<16xf32>,
      tpu.vector_store %arg6[%swap3A_210], %broadcast_in_dim3A_7 {strides = array<i32>} : memref<57344xf32, #tpu.memory_space<vmem>>, vector<16xf32>,
      %add3A_212 = arith.constant 32 : i32
      %add3A_213 = arith.addi %mul3A_204, %add3A_212 : i32
      %swap3A_214 = arith.index_cast %add3A_213 : i32 to index
      %swap3A_215 = tpu.vector_load %arg6[%swap3A_214] {strides = array<i32>} : memref<57344xf32, #tpu.memory_space<vmem>>, vector<16xf32>,
      tpu.vector_store %arg6[%swap3A_214], %broadcast_in_dim3A_7 {strides = array<i32>} : memref<57344xf32, #tpu.memory_space<vmem>>, vector<16xf32>,
      %add3A_216 = arith.constant 48 : i32
      %add3A_217 = arith.addi %mul3A_204, %add3A_216 : i32
      %swap3A_218 = arith.index_cast %add3A_217 : i32 to index
      %swap3A_219 = tpu.vector_load %arg6[%swap3A_218] {strides = array<i32>} : memref<57344xf32, #tpu.memory_space<vmem>>, vector<16xf32>,
      tpu.vector_store %arg6[%swap3A_218], %broadcast_in_dim3A_7 {strides = array<i32>} : memref<57344xf32, #tpu.memory_space<vmem>>, vector<16xf32>,
      %add3A_220 = arith.constant 64 : i32
      %add3A_221 = arith.addi %mul3A_204, %add3A_220 : i32
      %swap3A_222 = arith.index_cast %add3A_221 : i32 to index
      %swap3A_223 = tpu.vector_load %arg6[%swap3A_222] {strides = array<i32>} : memref<57344xf32, #tpu.memory_space<vmem>>, vector<16xf32>,
      tpu.vector_store %arg6[%swap3A_222], %broadcast_in_dim3A_7 {strides = array<i32>} : memref<57344xf32, #tpu.memory_space<vmem>>, vector<16xf32>,
      %add3A_224 = arith.constant 80 : i32
      %add3A_225 = arith.addi %mul3A_204, %add3A_224 : i32
      %swap3A_226 = arith.index_cast %add3A_225 : i32 to index
      %swap3A_227 = tpu.vector_load %arg6[%swap3A_226] {strides = array<i32>} : memref<57344xf32, #tpu.memory_space<vmem>>, vector<16xf32>,
      tpu.vector_store %arg6[%swap3A_226], %broadcast_in_dim3A_7 {strides = array<i32>} : memref<57344xf32, #tpu.memory_space<vmem>>, vector<16xf32>,
      %add3A_228 = arith.constant 96 : i32
      %add3A_229 = arith.addi %mul3A_204, %add3A_228 : i32
      %swap3A_230 = arith.index_cast %add3A_229 : i32 to index
      %swap3A_231 = tpu.vector_load %arg6[%swap3A_230] {strides = array<i32>} : memref<57344xf32, #tpu.memory_space<vmem>>, vector<16xf32>,
      tpu.vector_store %arg6[%swap3A_230], %broadcast_in_dim3A_7 {strides = array<i32>} : memref<57344xf32, #tpu.memory_space<vmem>>, vector<16xf32>,
      %add3A_232 = arith.constant 112 : i32
      %add3A_233 = arith.addi %mul3A_204, %add3A_232 : i32
      %swap3A_234 = arith.index_cast %add3A_233 : i32 to index
      %swap3A_235 = tpu.vector_load %arg6[%swap3A_234] {strides = array<i32>} : memref<57344xf32, #tpu.memory_space<vmem>>, vector<16xf32>,
      tpu.vector_store %arg6[%swap3A_234], %broadcast_in_dim3A_7 {strides = array<i32>} : memref<57344xf32, #tpu.memory_space<vmem>>, vector<16xf32>,
      %add3A_236 = arith.constant 128 : i32
      %add3A_237 = arith.addi %mul3A_204, %add3A_236 : i32
      %swap3A_238 = arith.index_cast %add3A_237 : i32 to index
      %swap3A_239 = tpu.vector_load %arg6[%swap3A_238] {strides = array<i32>} : memref<57344xf32, #tpu.memory_space<vmem>>, vector<16xf32>,
      tpu.vector_store %arg6[%swap3A_238], %broadcast_in_dim3A_7 {strides = array<i32>} : memref<57344xf32, #tpu.memory_space<vmem>>, vector<16xf32>,
      %add3A_240 = arith.constant 144 : i32
      %add3A_241 = arith.addi %mul3A_204, %add3A_240 : i32
      %swap3A_242 = arith.index_cast %add3A_241 : i32 to index
      %swap3A_243 = tpu.vector_load %arg6[%swap3A_242] {strides = array<i32>} : memref<57344xf32, #tpu.memory_space<vmem>>, vector<16xf32>,
      tpu.vector_store %arg6[%swap3A_242], %broadcast_in_dim3A_7 {strides = array<i32>} : memref<57344xf32, #tpu.memory_space<vmem>>, vector<16xf32>,
      %add3A_244 = arith.constant 160 : i32
      %add3A_245 = arith.addi %mul3A_204, %add3A_244 : i32
      %swap3A_246 = arith.index_cast %add3A_245 : i32 to index
      %swap3A_247 = tpu.vector_load %arg6[%swap3A_246] {strides = array<i32>} : memref<57344xf32, #tpu.memory_space<vmem>>, vector<16xf32>,
      tpu.vector_store %arg6[%swap3A_246], %broadcast_in_dim3A_7 {strides = array<i32>} : memref<57344xf32, #tpu.memory_space<vmem>>, vector<16xf32>,
      %add3A_248 = arith.constant 176 : i32
      %add3A_249 = arith.addi %mul3A_204, %add3A_248 : i32
      %swap3A_250 = arith.index_cast %add3A_249 : i32 to index
      %swap3A_251 = tpu.vector_load %arg6[%swap3A_250] {strides = array<i32>} : memref<57344xf32, #tpu.memory_space<vmem>>, vector<16xf32>,
      tpu.vector_store %arg6[%swap3A_250], %broadcast_in_dim3A_7 {strides = array<i32>} : memref<57344xf32, #tpu.memory_space<vmem>>, vector<16xf32>,
      %add3A_252 = arith.constant 192 : i32
      %add3A_253 = arith.addi %mul3A_204, %add3A_252 : i32
      %swap3A_254 = arith.index_cast %add3A_253 : i32 to index
      %swap3A_255 = tpu.vector_load %arg6[%swap3A_254] {strides = array<i32>} : memref<57344xf32, #tpu.memory_space<vmem>>, vector<16xf32>,
      tpu.vector_store %arg6[%swap3A_254], %broadcast_in_dim3A_7 {strides = array<i32>} : memref<57344xf32, #tpu.memory_space<vmem>>, vector<16xf32>,
      %add3A_256 = arith.constant 208 : i32
      %add3A_257 = arith.addi %mul3A_204, %add3A_256 : i32
      %swap3A_258 = arith.index_cast %add3A_257 : i32 to index
      %swap3A_259 = tpu.vector_load %arg6[%swap3A_258] {strides = array<i32>} : memref<57344xf32, #tpu.memory_space<vmem>>, vector<16xf32>,
      tpu.vector_store %arg6[%swap3A_258], %broadcast_in_dim3A_7 {strides = array<i32>} : memref<57344xf32, #tpu.memory_space<vmem>>, vector<16xf32>,
      %add3A_260 = arith.constant 224 : i32
      %add3A_261 = arith.addi %mul3A_204, %add3A_260 : i32
      %swap3A_262 = arith.index_cast %add3A_261 : i32 to index
      %swap3A_263 = tpu.vector_load %arg6[%swap3A_262] {strides = array<i32>} : memref<57344xf32, #tpu.memory_space<vmem>>, vector<16xf32>,
      tpu.vector_store %arg6[%swap3A_262], %broadcast_in_dim3A_7 {strides = array<i32>} : memref<57344xf32, #tpu.memory_space<vmem>>, vector<16xf32>,
      %add3A_264 = arith.constant 240 : i32
      %add3A_265 = arith.addi %mul3A_204, %add3A_264 : i32
      %swap3A_266 = arith.index_cast %add3A_265 : i32 to index
      %swap3A_267 = tpu.vector_load %arg6[%swap3A_266] {strides = array<i32>} : memref<57344xf32, #tpu.memory_space<vmem>>, vector<16xf32>,
      tpu.vector_store %arg6[%swap3A_266], %broadcast_in_dim3A_7 {strides = array<i32>} : memref<57344xf32, #tpu.memory_space<vmem>>, vector<16xf32>,
      %scan3A_268 = arith.constant 0 : i32
      scf.yield %scan3A_268 : i32
    }
    %scan3A_13 = arith.constant 224 : i32
    %broadcast_in_dim3A_14 = arith.constant 1.000000e+00 : f32
    %broadcast_in_dim3A_15 = vector.broadcast %broadcast_in_dim3A_14 : f32 to vector<16xf32>
    %iota3A = tpu.iota {dimensions = array<i32: 0>} : vector<16xi32>
    %scan3A_16 = arith.constant 0 : i32
    %scan3A_17 = arith.constant 0 : i32
    %scan3A_18 = arith.constant 14 : i32
    %scan3A_19 = arith.addi %scan3A_17, %scan3A_18 : i32
    %scan3A_20 = arith.constant 1 : i32
    %scan3A_21 = scf.for %scan3A_201 = %scan3A_17 to %scan3A_19 step %scan3A_20 iter_args(%scan3A_202 = %scan3A_16) -> (i32)  : i32 {
      %mul3A_203 = arith.constant 16 : i32
      %mul3A_204 = arith.muli %scan3A_201, %mul3A_203 : i32
      %mul3A_205 = arith.constant 6 : i32
      %mul3A_206 = arith.muli %mul3A_204, %mul3A_205 : i32
      %mul3A_207 = arith.constant 6 : i32
      %mul3A_208 = vector.broadcast %mul3A_207 : i32 to vector<16xi32>
      %mul3A_209 = arith.muli %iota3A, %mul3A_208 : vector<16xi32>
      %add3A_210 = vector.broadcast %mul3A_206 : i32 to vector<16xi32>
      %add3A_211 = arith.addi %add3A_210, %mul3A_209 : vector<16xi32>
      %add3A_212 = vector.broadcast %mul3A_204 : i32 to vector<16xi32>
      %add3A_213 = arith.addi %add3A_212, %iota3A : vector<16xi32>
      %mul3A_214 = arith.constant 256 : i32
      %mul3A_215 = vector.broadcast %mul3A_214 : i32 to vector<16xi32>
      %mul3A_216 = arith.muli %add3A_213, %mul3A_215 : vector<16xi32>
      %add3A_217 = arith.constant 0 : i32
      %add3A_218 = vector.broadcast %add3A_217 : i32 to vector<16xi32>
      %add3A_219 = arith.addi %add3A_211, %add3A_218 : vector<16xi32>
      %gather3A = tpu.vector_load_idx %arg4[%add3A_219] : memref<1344xi32, #tpu.memory_space<vmem>>[vector<16xi32>], vector<16xi32>,
      %add3A_220 = arith.addi %mul3A_216, %gather3A : vector<16xi32>
      tpu.vector_store_idx %arg6[%add3A_220], %broadcast_in_dim3A_15 {add = true} : memref<57344xf32, #tpu.memory_space<vmem>>[vector<16xi32>], vector<16xf32>,
      %add3A_221 = arith.constant 1 : i32
      %add3A_222 = vector.broadcast %add3A_221 : i32 to vector<16xi32>
      %add3A_223 = arith.addi %add3A_211, %add3A_222 : vector<16xi32>
      %gather3A_224 = tpu.vector_load_idx %arg4[%add3A_223] : memref<1344xi32, #tpu.memory_space<vmem>>[vector<16xi32>], vector<16xi32>,
      %add3A_225 = arith.addi %mul3A_216, %gather3A_224 : vector<16xi32>
      tpu.vector_store_idx %arg6[%add3A_225], %broadcast_in_dim3A_15 {add = true} : memref<57344xf32, #tpu.memory_space<vmem>>[vector<16xi32>], vector<16xf32>,
      %add3A_226 = arith.constant 2 : i32
      %add3A_227 = vector.broadcast %add3A_226 : i32 to vector<16xi32>
      %add3A_228 = arith.addi %add3A_211, %add3A_227 : vector<16xi32>
      %gather3A_229 = tpu.vector_load_idx %arg4[%add3A_228] : memref<1344xi32, #tpu.memory_space<vmem>>[vector<16xi32>], vector<16xi32>,
      %add3A_230 = arith.addi %mul3A_216, %gather3A_229 : vector<16xi32>
      tpu.vector_store_idx %arg6[%add3A_230], %broadcast_in_dim3A_15 {add = true} : memref<57344xf32, #tpu.memory_space<vmem>>[vector<16xi32>], vector<16xf32>,
      %add3A_231 = arith.constant 3 : i32
      %add3A_232 = vector.broadcast %add3A_231 : i32 to vector<16xi32>
      %add3A_233 = arith.addi %add3A_211, %add3A_232 : vector<16xi32>
      %gather3A_234 = tpu.vector_load_idx %arg4[%add3A_233] : memref<1344xi32, #tpu.memory_space<vmem>>[vector<16xi32>], vector<16xi32>,
      %add3A_235 = arith.addi %mul3A_216, %gather3A_234 : vector<16xi32>
      tpu.vector_store_idx %arg6[%add3A_235], %broadcast_in_dim3A_15 {add = true} : memref<57344xf32, #tpu.memory_space<vmem>>[vector<16xi32>], vector<16xf32>,
      %add3A_236 = arith.constant 4 : i32
      %add3A_237 = vector.broadcast %add3A_236 : i32 to vector<16xi32>
      %add3A_238 = arith.addi %add3A_211, %add3A_237 : vector<16xi32>
      %gather3A_239 = tpu.vector_load_idx %arg4[%add3A_238] : memref<1344xi32, #tpu.memory_space<vmem>>[vector<16xi32>], vector<16xi32>,
      %add3A_240 = arith.addi %mul3A_216, %gather3A_239 : vector<16xi32>
      tpu.vector_store_idx %arg6[%add3A_240], %broadcast_in_dim3A_15 {add = true} : memref<57344xf32, #tpu.memory_space<vmem>>[vector<16xi32>], vector<16xf32>,
      %add3A_241 = arith.constant 5 : i32
      %add3A_242 = vector.broadcast %add3A_241 : i32 to vector<16xi32>
      %add3A_243 = arith.addi %add3A_211, %add3A_242 : vector<16xi32>
      %gather3A_244 = tpu.vector_load_idx %arg4[%add3A_243] : memref<1344xi32, #tpu.memory_space<vmem>>[vector<16xi32>], vector<16xi32>,
      %add3A_245 = arith.addi %mul3A_216, %gather3A_244 : vector<16xi32>
      tpu.vector_store_idx %arg6[%add3A_245], %broadcast_in_dim3A_15 {add = true} : memref<57344xf32, #tpu.memory_space<vmem>>[vector<16xi32>], vector<16xf32>,
      %scan3A_246 = arith.constant 0 : i32
      scf.yield %scan3A_246 : i32
    }
    %scan3A_22 = arith.constant 14 : i32
    %mul3A_23 = arith.constant 256 : i32
    %mul3A_24 = arith.muli %add3A_4, %mul3A_23 : i32
    %dma_start3A = tpu.memref_slice %arg3[%mul3A_24] : memref<12845056xf32, #tpu.memory_space<hbm>> -> memref<57344xf32, #tpu.memory_space<hbm>>
    %dma_start3A_25 = tpu.memref_slice %arg3[%mul3A_24] : memref<12845056xf32, #tpu.memory_space<hbm>> -> memref<57344xf32, #tpu.memory_space<hbm>>
    tpu.enqueue_dma source(%arg6 : memref<57344xf32, #tpu.memory_space<vmem>>) target(%dma_start3A_25 : memref<57344xf32, #tpu.memory_space<hbm>>) target_semaphore(%arg8 : memref<!tpu.dma_semaphore, #tpu.memory_space<semaphore_mem>>)
    %add3A_26 = arith.constant 224 : i32
    %add3A_27 = arith.addi %mul3A_2, %add3A_26 : i32
    %mul3A_28 = arith.constant 6 : i32
    %mul3A_29 = arith.muli %add3A_27, %mul3A_28 : i32
    "tpu.region"() ({
      %run_scoped3A = tpu.sem_alloc : memref<!tpu.dma_semaphore, #tpu.memory_space<semaphore_mem>>
      %dma_start3A_201 = tpu.memref_slice %arg2[%mul3A_29] : memref<301056xi32, #tpu.memory_space<hbm>> -> memref<1344xi32, #tpu.memory_space<hbm>>
      %dma_start3A_202 = tpu.memref_slice %arg2[%mul3A_29] : memref<301056xi32, #tpu.memory_space<hbm>> -> memref<1344xi32, #tpu.memory_space<hbm>>
      tpu.enqueue_dma source(%dma_start3A_202 : memref<1344xi32, #tpu.memory_space<hbm>>) target(%arg5 : memref<1344xi32, #tpu.memory_space<vmem>>) target_semaphore(%run_scoped3A : memref<!tpu.dma_semaphore, #tpu.memory_space<semaphore_mem>>)
      %dma_wait3A_203 = tpu.memref_slice %arg2[%mul3A_29] : memref<301056xi32, #tpu.memory_space<hbm>> -> memref<1344xi32, #tpu.memory_space<hbm>>
      %dma_wait3A_204 = tpu.memref_slice %arg2[%mul3A_29] : memref<301056xi32, #tpu.memory_space<hbm>> -> memref<1344xi32, #tpu.memory_space<hbm>>
      tpu.wait_dma2 semaphore(%run_scoped3A : memref<!tpu.dma_semaphore, #tpu.memory_space<semaphore_mem>>) src(%dma_wait3A_204 : memref<1344xi32, #tpu.memory_space<hbm>>) dst(%arg5 : memref<1344xi32, #tpu.memory_space<vmem>>)
      tpu.yield
    }) : () -> ()
    %broadcast_in_dim3A_30 = arith.constant 0.000000e+00 : f32
    %broadcast_in_dim3A_31 = vector.broadcast %broadcast_in_dim3A_30 : f32 to vector<16xf32>
    %scan3A_32 = arith.constant 0 : i32
    %scan3A_33 = arith.constant 0 : i32
    %scan3A_34 = arith.constant 224 : i32
    %scan3A_35 = arith.addi %scan3A_33, %scan3A_34 : i32
    %scan3A_36 = arith.constant 1 : i32
    %scan3A_37 = scf.for %scan3A_201 = %scan3A_33 to %scan3A_35 step %scan3A_36 iter_args(%scan3A_202 = %scan3A_32) -> (i32)  : i32 {
      %mul3A_203 = arith.constant 256 : i32
      %mul3A_204 = arith.muli %scan3A_201, %mul3A_203 : i32
      %add3A_205 = arith.constant 0 : i32
      %add3A_206 = arith.addi %mul3A_204, %add3A_205 : i32
      %swap3A = arith.index_cast %add3A_206 : i32 to index
      %swap3A_207 = tpu.vector_load %arg7[%swap3A] {strides = array<i32>} : memref<57344xf32, #tpu.memory_space<vmem>>, vector<16xf32>,
      tpu.vector_store %arg7[%swap3A], %broadcast_in_dim3A_31 {strides = array<i32>} : memref<57344xf32, #tpu.memory_space<vmem>>, vector<16xf32>,
      %add3A_208 = arith.constant 16 : i32
      %add3A_209 = arith.addi %mul3A_204, %add3A_208 : i32
      %swap3A_210 = arith.index_cast %add3A_209 : i32 to index
      %swap3A_211 = tpu.vector_load %arg7[%swap3A_210] {strides = array<i32>} : memref<57344xf32, #tpu.memory_space<vmem>>, vector<16xf32>,
      tpu.vector_store %arg7[%swap3A_210], %broadcast_in_dim3A_31 {strides = array<i32>} : memref<57344xf32, #tpu.memory_space<vmem>>, vector<16xf32>,
      %add3A_212 = arith.constant 32 : i32
      %add3A_213 = arith.addi %mul3A_204, %add3A_212 : i32
      %swap3A_214 = arith.index_cast %add3A_213 : i32 to index
      %swap3A_215 = tpu.vector_load %arg7[%swap3A_214] {strides = array<i32>} : memref<57344xf32, #tpu.memory_space<vmem>>, vector<16xf32>,
      tpu.vector_store %arg7[%swap3A_214], %broadcast_in_dim3A_31 {strides = array<i32>} : memref<57344xf32, #tpu.memory_space<vmem>>, vector<16xf32>,
      %add3A_216 = arith.constant 48 : i32
      %add3A_217 = arith.addi %mul3A_204, %add3A_216 : i32
      %swap3A_218 = arith.index_cast %add3A_217 : i32 to index
      %swap3A_219 = tpu.vector_load %arg7[%swap3A_218] {strides = array<i32>} : memref<57344xf32, #tpu.memory_space<vmem>>, vector<16xf32>,
      tpu.vector_store %arg7[%swap3A_218], %broadcast_in_dim3A_31 {strides = array<i32>} : memref<57344xf32, #tpu.memory_space<vmem>>, vector<16xf32>,
      %add3A_220 = arith.constant 64 : i32
      %add3A_221 = arith.addi %mul3A_204, %add3A_220 : i32
      %swap3A_222 = arith.index_cast %add3A_221 : i32 to index
      %swap3A_223 = tpu.vector_load %arg7[%swap3A_222] {strides = array<i32>} : memref<57344xf32, #tpu.memory_space<vmem>>, vector<16xf32>,
      tpu.vector_store %arg7[%swap3A_222], %broadcast_in_dim3A_31 {strides = array<i32>} : memref<57344xf32, #tpu.memory_space<vmem>>, vector<16xf32>,
      %add3A_224 = arith.constant 80 : i32
      %add3A_225 = arith.addi %mul3A_204, %add3A_224 : i32
      %swap3A_226 = arith.index_cast %add3A_225 : i32 to index
      %swap3A_227 = tpu.vector_load %arg7[%swap3A_226] {strides = array<i32>} : memref<57344xf32, #tpu.memory_space<vmem>>, vector<16xf32>,
      tpu.vector_store %arg7[%swap3A_226], %broadcast_in_dim3A_31 {strides = array<i32>} : memref<57344xf32, #tpu.memory_space<vmem>>, vector<16xf32>,
      %add3A_228 = arith.constant 96 : i32
      %add3A_229 = arith.addi %mul3A_204, %add3A_228 : i32
      %swap3A_230 = arith.index_cast %add3A_229 : i32 to index
      %swap3A_231 = tpu.vector_load %arg7[%swap3A_230] {strides = array<i32>} : memref<57344xf32, #tpu.memory_space<vmem>>, vector<16xf32>,
      tpu.vector_store %arg7[%swap3A_230], %broadcast_in_dim3A_31 {strides = array<i32>} : memref<57344xf32, #tpu.memory_space<vmem>>, vector<16xf32>,
      %add3A_232 = arith.constant 112 : i32
      %add3A_233 = arith.addi %mul3A_204, %add3A_232 : i32
      %swap3A_234 = arith.index_cast %add3A_233 : i32 to index
      %swap3A_235 = tpu.vector_load %arg7[%swap3A_234] {strides = array<i32>} : memref<57344xf32, #tpu.memory_space<vmem>>, vector<16xf32>,
      tpu.vector_store %arg7[%swap3A_234], %broadcast_in_dim3A_31 {strides = array<i32>} : memref<57344xf32, #tpu.memory_space<vmem>>, vector<16xf32>,
      %add3A_236 = arith.constant 128 : i32
      %add3A_237 = arith.addi %mul3A_204, %add3A_236 : i32
      %swap3A_238 = arith.index_cast %add3A_237 : i32 to index
      %swap3A_239 = tpu.vector_load %arg7[%swap3A_238] {strides = array<i32>} : memref<57344xf32, #tpu.memory_space<vmem>>, vector<16xf32>,
      tpu.vector_store %arg7[%swap3A_238], %broadcast_in_dim3A_31 {strides = array<i32>} : memref<57344xf32, #tpu.memory_space<vmem>>, vector<16xf32>,
      %add3A_240 = arith.constant 144 : i32
      %add3A_241 = arith.addi %mul3A_204, %add3A_240 : i32
      %swap3A_242 = arith.index_cast %add3A_241 : i32 to index
      %swap3A_243 = tpu.vector_load %arg7[%swap3A_242] {strides = array<i32>} : memref<57344xf32, #tpu.memory_space<vmem>>, vector<16xf32>,
      tpu.vector_store %arg7[%swap3A_242], %broadcast_in_dim3A_31 {strides = array<i32>} : memref<57344xf32, #tpu.memory_space<vmem>>, vector<16xf32>,
      %add3A_244 = arith.constant 160 : i32
      %add3A_245 = arith.addi %mul3A_204, %add3A_244 : i32
      %swap3A_246 = arith.index_cast %add3A_245 : i32 to index
      %swap3A_247 = tpu.vector_load %arg7[%swap3A_246] {strides = array<i32>} : memref<57344xf32, #tpu.memory_space<vmem>>, vector<16xf32>,
      tpu.vector_store %arg7[%swap3A_246], %broadcast_in_dim3A_31 {strides = array<i32>} : memref<57344xf32, #tpu.memory_space<vmem>>, vector<16xf32>,
      %add3A_248 = arith.constant 176 : i32
      %add3A_249 = arith.addi %mul3A_204, %add3A_248 : i32
      %swap3A_250 = arith.index_cast %add3A_249 : i32 to index
      %swap3A_251 = tpu.vector_load %arg7[%swap3A_250] {strides = array<i32>} : memref<57344xf32, #tpu.memory_space<vmem>>, vector<16xf32>,
      tpu.vector_store %arg7[%swap3A_250], %broadcast_in_dim3A_31 {strides = array<i32>} : memref<57344xf32, #tpu.memory_space<vmem>>, vector<16xf32>,
      %add3A_252 = arith.constant 192 : i32
      %add3A_253 = arith.addi %mul3A_204, %add3A_252 : i32
      %swap3A_254 = arith.index_cast %add3A_253 : i32 to index
      %swap3A_255 = tpu.vector_load %arg7[%swap3A_254] {strides = array<i32>} : memref<57344xf32, #tpu.memory_space<vmem>>, vector<16xf32>,
      tpu.vector_store %arg7[%swap3A_254], %broadcast_in_dim3A_31 {strides = array<i32>} : memref<57344xf32, #tpu.memory_space<vmem>>, vector<16xf32>,
      %add3A_256 = arith.constant 208 : i32
      %add3A_257 = arith.addi %mul3A_204, %add3A_256 : i32
      %swap3A_258 = arith.index_cast %add3A_257 : i32 to index
      %swap3A_259 = tpu.vector_load %arg7[%swap3A_258] {strides = array<i32>} : memref<57344xf32, #tpu.memory_space<vmem>>, vector<16xf32>,
      tpu.vector_store %arg7[%swap3A_258], %broadcast_in_dim3A_31 {strides = array<i32>} : memref<57344xf32, #tpu.memory_space<vmem>>, vector<16xf32>,
      %add3A_260 = arith.constant 224 : i32
      %add3A_261 = arith.addi %mul3A_204, %add3A_260 : i32
      %swap3A_262 = arith.index_cast %add3A_261 : i32 to index
      %swap3A_263 = tpu.vector_load %arg7[%swap3A_262] {strides = array<i32>} : memref<57344xf32, #tpu.memory_space<vmem>>, vector<16xf32>,
      tpu.vector_store %arg7[%swap3A_262], %broadcast_in_dim3A_31 {strides = array<i32>} : memref<57344xf32, #tpu.memory_space<vmem>>, vector<16xf32>,
      %add3A_264 = arith.constant 240 : i32
      %add3A_265 = arith.addi %mul3A_204, %add3A_264 : i32
      %swap3A_266 = arith.index_cast %add3A_265 : i32 to index
      %swap3A_267 = tpu.vector_load %arg7[%swap3A_266] {strides = array<i32>} : memref<57344xf32, #tpu.memory_space<vmem>>, vector<16xf32>,
      tpu.vector_store %arg7[%swap3A_266], %broadcast_in_dim3A_31 {strides = array<i32>} : memref<57344xf32, #tpu.memory_space<vmem>>, vector<16xf32>,
      %scan3A_268 = arith.constant 0 : i32
      scf.yield %scan3A_268 : i32
    }
    %scan3A_38 = arith.constant 224 : i32
    %broadcast_in_dim3A_39 = arith.constant 1.000000e+00 : f32
    %broadcast_in_dim3A_40 = vector.broadcast %broadcast_in_dim3A_39 : f32 to vector<16xf32>
    %iota3A_41 = tpu.iota {dimensions = array<i32: 0>} : vector<16xi32>
    %scan3A_42 = arith.constant 0 : i32
    %scan3A_43 = arith.constant 0 : i32
    %scan3A_44 = arith.constant 14 : i32
    %scan3A_45 = arith.addi %scan3A_43, %scan3A_44 : i32
    %scan3A_46 = arith.constant 1 : i32
    %scan3A_47 = scf.for %scan3A_201 = %scan3A_43 to %scan3A_45 step %scan3A_46 iter_args(%scan3A_202 = %scan3A_42) -> (i32)  : i32 {
      %mul3A_203 = arith.constant 16 : i32
      %mul3A_204 = arith.muli %scan3A_201, %mul3A_203 : i32
      %mul3A_205 = arith.constant 6 : i32
      %mul3A_206 = arith.muli %mul3A_204, %mul3A_205 : i32
      %mul3A_207 = arith.constant 6 : i32
      %mul3A_208 = vector.broadcast %mul3A_207 : i32 to vector<16xi32>
      %mul3A_209 = arith.muli %iota3A_41, %mul3A_208 : vector<16xi32>
      %add3A_210 = vector.broadcast %mul3A_206 : i32 to vector<16xi32>
      %add3A_211 = arith.addi %add3A_210, %mul3A_209 : vector<16xi32>
      %add3A_212 = vector.broadcast %mul3A_204 : i32 to vector<16xi32>
      %add3A_213 = arith.addi %add3A_212, %iota3A_41 : vector<16xi32>
      %mul3A_214 = arith.constant 256 : i32
      %mul3A_215 = vector.broadcast %mul3A_214 : i32 to vector<16xi32>
      %mul3A_216 = arith.muli %add3A_213, %mul3A_215 : vector<16xi32>
      %add3A_217 = arith.constant 0 : i32
      %add3A_218 = vector.broadcast %add3A_217 : i32 to vector<16xi32>
      %add3A_219 = arith.addi %add3A_211, %add3A_218 : vector<16xi32>
      %gather3A = tpu.vector_load_idx %arg5[%add3A_219] : memref<1344xi32, #tpu.memory_space<vmem>>[vector<16xi32>], vector<16xi32>,
      %add3A_220 = arith.addi %mul3A_216, %gather3A : vector<16xi32>
      tpu.vector_store_idx %arg7[%add3A_220], %broadcast_in_dim3A_40 {add = true} : memref<57344xf32, #tpu.memory_space<vmem>>[vector<16xi32>], vector<16xf32>,
      %add3A_221 = arith.constant 1 : i32
      %add3A_222 = vector.broadcast %add3A_221 : i32 to vector<16xi32>
      %add3A_223 = arith.addi %add3A_211, %add3A_222 : vector<16xi32>
      %gather3A_224 = tpu.vector_load_idx %arg5[%add3A_223] : memref<1344xi32, #tpu.memory_space<vmem>>[vector<16xi32>], vector<16xi32>,
      %add3A_225 = arith.addi %mul3A_216, %gather3A_224 : vector<16xi32>
      tpu.vector_store_idx %arg7[%add3A_225], %broadcast_in_dim3A_40 {add = true} : memref<57344xf32, #tpu.memory_space<vmem>>[vector<16xi32>], vector<16xf32>,
      %add3A_226 = arith.constant 2 : i32
      %add3A_227 = vector.broadcast %add3A_226 : i32 to vector<16xi32>
      %add3A_228 = arith.addi %add3A_211, %add3A_227 : vector<16xi32>
      %gather3A_229 = tpu.vector_load_idx %arg5[%add3A_228] : memref<1344xi32, #tpu.memory_space<vmem>>[vector<16xi32>], vector<16xi32>,
      %add3A_230 = arith.addi %mul3A_216, %gather3A_229 : vector<16xi32>
      tpu.vector_store_idx %arg7[%add3A_230], %broadcast_in_dim3A_40 {add = true} : memref<57344xf32, #tpu.memory_space<vmem>>[vector<16xi32>], vector<16xf32>,
      %add3A_231 = arith.constant 3 : i32
      %add3A_232 = vector.broadcast %add3A_231 : i32 to vector<16xi32>
      %add3A_233 = arith.addi %add3A_211, %add3A_232 : vector<16xi32>
      %gather3A_234 = tpu.vector_load_idx %arg5[%add3A_233] : memref<1344xi32, #tpu.memory_space<vmem>>[vector<16xi32>], vector<16xi32>,
      %add3A_235 = arith.addi %mul3A_216, %gather3A_234 : vector<16xi32>
      tpu.vector_store_idx %arg7[%add3A_235], %broadcast_in_dim3A_40 {add = true} : memref<57344xf32, #tpu.memory_space<vmem>>[vector<16xi32>], vector<16xf32>,
      %add3A_236 = arith.constant 4 : i32
      %add3A_237 = vector.broadcast %add3A_236 : i32 to vector<16xi32>
      %add3A_238 = arith.addi %add3A_211, %add3A_237 : vector<16xi32>
      %gather3A_239 = tpu.vector_load_idx %arg5[%add3A_238] : memref<1344xi32, #tpu.memory_space<vmem>>[vector<16xi32>], vector<16xi32>,
      %add3A_240 = arith.addi %mul3A_216, %gather3A_239 : vector<16xi32>
      tpu.vector_store_idx %arg7[%add3A_240], %broadcast_in_dim3A_40 {add = true} : memref<57344xf32, #tpu.memory_space<vmem>>[vector<16xi32>], vector<16xf32>,
      %add3A_241 = arith.constant 5 : i32
      %add3A_242 = vector.broadcast %add3A_241 : i32 to vector<16xi32>
      %add3A_243 = arith.addi %add3A_211, %add3A_242 : vector<16xi32>
      %gather3A_244 = tpu.vector_load_idx %arg5[%add3A_243] : memref<1344xi32, #tpu.memory_space<vmem>>[vector<16xi32>], vector<16xi32>,
      %add3A_245 = arith.addi %mul3A_216, %gather3A_244 : vector<16xi32>
      tpu.vector_store_idx %arg7[%add3A_245], %broadcast_in_dim3A_40 {add = true} : memref<57344xf32, #tpu.memory_space<vmem>>[vector<16xi32>], vector<16xf32>,
      %scan3A_246 = arith.constant 0 : i32
      scf.yield %scan3A_246 : i32
    }
    %scan3A_48 = arith.constant 14 : i32
    %mul3A_49 = arith.constant 256 : i32
    %mul3A_50 = arith.muli %add3A_27, %mul3A_49 : i32
    %dma_start3A_51 = tpu.memref_slice %arg3[%mul3A_50] : memref<12845056xf32, #tpu.memory_space<hbm>> -> memref<57344xf32, #tpu.memory_space<hbm>>
    %dma_start3A_52 = tpu.memref_slice %arg3[%mul3A_50] : memref<12845056xf32, #tpu.memory_space<hbm>> -> memref<57344xf32, #tpu.memory_space<hbm>>
    tpu.enqueue_dma source(%arg7 : memref<57344xf32, #tpu.memory_space<vmem>>) target(%dma_start3A_52 : memref<57344xf32, #tpu.memory_space<hbm>>) target_semaphore(%arg9 : memref<!tpu.dma_semaphore, #tpu.memory_space<semaphore_mem>>)
    %add3A_53 = arith.constant 448 : i32
    %add3A_54 = arith.addi %mul3A_2, %add3A_53 : i32
    %dma_wait3A = tpu.memref_slice %arg3[%mul3A_24] : memref<12845056xf32, #tpu.memory_space<hbm>> -> memref<57344xf32, #tpu.memory_space<hbm>>
    %dma_wait3A_55 = tpu.memref_slice %arg3[%mul3A_24] : memref<12845056xf32, #tpu.memory_space<hbm>> -> memref<57344xf32, #tpu.memory_space<hbm>>
    tpu.wait_dma2 semaphore(%arg8 : memref<!tpu.dma_semaphore, #tpu.memory_space<semaphore_mem>>) src(%arg6 : memref<57344xf32, #tpu.memory_space<vmem>>) dst(%dma_wait3A_55 : memref<57344xf32, #tpu.memory_space<hbm>>)
    %mul3A_56 = arith.constant 6 : i32
    %mul3A_57 = arith.muli %add3A_54, %mul3A_56 : i32
    "tpu.region"() ({
      %run_scoped3A = tpu.sem_alloc : memref<!tpu.dma_semaphore, #tpu.memory_space<semaphore_mem>>
      %dma_start3A_201 = tpu.memref_slice %arg2[%mul3A_57] : memref<301056xi32, #tpu.memory_space<hbm>> -> memref<1344xi32, #tpu.memory_space<hbm>>
      %dma_start3A_202 = tpu.memref_slice %arg2[%mul3A_57] : memref<301056xi32, #tpu.memory_space<hbm>> -> memref<1344xi32, #tpu.memory_space<hbm>>
      tpu.enqueue_dma source(%dma_start3A_202 : memref<1344xi32, #tpu.memory_space<hbm>>) target(%arg4 : memref<1344xi32, #tpu.memory_space<vmem>>) target_semaphore(%run_scoped3A : memref<!tpu.dma_semaphore, #tpu.memory_space<semaphore_mem>>)
      %dma_wait3A_203 = tpu.memref_slice %arg2[%mul3A_57] : memref<301056xi32, #tpu.memory_space<hbm>> -> memref<1344xi32, #tpu.memory_space<hbm>>
      %dma_wait3A_204 = tpu.memref_slice %arg2[%mul3A_57] : memref<301056xi32, #tpu.memory_space<hbm>> -> memref<1344xi32, #tpu.memory_space<hbm>>
      tpu.wait_dma2 semaphore(%run_scoped3A : memref<!tpu.dma_semaphore, #tpu.memory_space<semaphore_mem>>) src(%dma_wait3A_204 : memref<1344xi32, #tpu.memory_space<hbm>>) dst(%arg4 : memref<1344xi32, #tpu.memory_space<vmem>>)
      tpu.yield
    }) : () -> ()
    %broadcast_in_dim3A_58 = arith.constant 0.000000e+00 : f32
    %broadcast_in_dim3A_59 = vector.broadcast %broadcast_in_dim3A_58 : f32 to vector<16xf32>
    %scan3A_60 = arith.constant 0 : i32
    %scan3A_61 = arith.constant 0 : i32
    %scan3A_62 = arith.constant 224 : i32
    %scan3A_63 = arith.addi %scan3A_61, %scan3A_62 : i32
    %scan3A_64 = arith.constant 1 : i32
    %scan3A_65 = scf.for %scan3A_201 = %scan3A_61 to %scan3A_63 step %scan3A_64 iter_args(%scan3A_202 = %scan3A_60) -> (i32)  : i32 {
      %mul3A_203 = arith.constant 256 : i32
      %mul3A_204 = arith.muli %scan3A_201, %mul3A_203 : i32
      %add3A_205 = arith.constant 0 : i32
      %add3A_206 = arith.addi %mul3A_204, %add3A_205 : i32
      %swap3A = arith.index_cast %add3A_206 : i32 to index
      %swap3A_207 = tpu.vector_load %arg6[%swap3A] {strides = array<i32>} : memref<57344xf32, #tpu.memory_space<vmem>>, vector<16xf32>,
      tpu.vector_store %arg6[%swap3A], %broadcast_in_dim3A_59 {strides = array<i32>} : memref<57344xf32, #tpu.memory_space<vmem>>, vector<16xf32>,
      %add3A_208 = arith.constant 16 : i32
      %add3A_209 = arith.addi %mul3A_204, %add3A_208 : i32
      %swap3A_210 = arith.index_cast %add3A_209 : i32 to index
      %swap3A_211 = tpu.vector_load %arg6[%swap3A_210] {strides = array<i32>} : memref<57344xf32, #tpu.memory_space<vmem>>, vector<16xf32>,
      tpu.vector_store %arg6[%swap3A_210], %broadcast_in_dim3A_59 {strides = array<i32>} : memref<57344xf32, #tpu.memory_space<vmem>>, vector<16xf32>,
      %add3A_212 = arith.constant 32 : i32
      %add3A_213 = arith.addi %mul3A_204, %add3A_212 : i32
      %swap3A_214 = arith.index_cast %add3A_213 : i32 to index
      %swap3A_215 = tpu.vector_load %arg6[%swap3A_214] {strides = array<i32>} : memref<57344xf32, #tpu.memory_space<vmem>>, vector<16xf32>,
      tpu.vector_store %arg6[%swap3A_214], %broadcast_in_dim3A_59 {strides = array<i32>} : memref<57344xf32, #tpu.memory_space<vmem>>, vector<16xf32>,
      %add3A_216 = arith.constant 48 : i32
      %add3A_217 = arith.addi %mul3A_204, %add3A_216 : i32
      %swap3A_218 = arith.index_cast %add3A_217 : i32 to index
      %swap3A_219 = tpu.vector_load %arg6[%swap3A_218] {strides = array<i32>} : memref<57344xf32, #tpu.memory_space<vmem>>, vector<16xf32>,
      tpu.vector_store %arg6[%swap3A_218], %broadcast_in_dim3A_59 {strides = array<i32>} : memref<57344xf32, #tpu.memory_space<vmem>>, vector<16xf32>,
      %add3A_220 = arith.constant 64 : i32
      %add3A_221 = arith.addi %mul3A_204, %add3A_220 : i32
      %swap3A_222 = arith.index_cast %add3A_221 : i32 to index
      %swap3A_223 = tpu.vector_load %arg6[%swap3A_222] {strides = array<i32>} : memref<57344xf32, #tpu.memory_space<vmem>>, vector<16xf32>,
      tpu.vector_store %arg6[%swap3A_222], %broadcast_in_dim3A_59 {strides = array<i32>} : memref<57344xf32, #tpu.memory_space<vmem>>, vector<16xf32>,
      %add3A_224 = arith.constant 80 : i32
      %add3A_225 = arith.addi %mul3A_204, %add3A_224 : i32
      %swap3A_226 = arith.index_cast %add3A_225 : i32 to index
      %swap3A_227 = tpu.vector_load %arg6[%swap3A_226] {strides = array<i32>} : memref<57344xf32, #tpu.memory_space<vmem>>, vector<16xf32>,
      tpu.vector_store %arg6[%swap3A_226], %broadcast_in_dim3A_59 {strides = array<i32>} : memref<57344xf32, #tpu.memory_space<vmem>>, vector<16xf32>,
      %add3A_228 = arith.constant 96 : i32
      %add3A_229 = arith.addi %mul3A_204, %add3A_228 : i32
      %swap3A_230 = arith.index_cast %add3A_229 : i32 to index
      %swap3A_231 = tpu.vector_load %arg6[%swap3A_230] {strides = array<i32>} : memref<57344xf32, #tpu.memory_space<vmem>>, vector<16xf32>,
      tpu.vector_store %arg6[%swap3A_230], %broadcast_in_dim3A_59 {strides = array<i32>} : memref<57344xf32, #tpu.memory_space<vmem>>, vector<16xf32>,
      %add3A_232 = arith.constant 112 : i32
      %add3A_233 = arith.addi %mul3A_204, %add3A_232 : i32
      %swap3A_234 = arith.index_cast %add3A_233 : i32 to index
      %swap3A_235 = tpu.vector_load %arg6[%swap3A_234] {strides = array<i32>} : memref<57344xf32, #tpu.memory_space<vmem>>, vector<16xf32>,
      tpu.vector_store %arg6[%swap3A_234], %broadcast_in_dim3A_59 {strides = array<i32>} : memref<57344xf32, #tpu.memory_space<vmem>>, vector<16xf32>,
      %add3A_236 = arith.constant 128 : i32
      %add3A_237 = arith.addi %mul3A_204, %add3A_236 : i32
      %swap3A_238 = arith.index_cast %add3A_237 : i32 to index
      %swap3A_239 = tpu.vector_load %arg6[%swap3A_238] {strides = array<i32>} : memref<57344xf32, #tpu.memory_space<vmem>>, vector<16xf32>,
      tpu.vector_store %arg6[%swap3A_238], %broadcast_in_dim3A_59 {strides = array<i32>} : memref<57344xf32, #tpu.memory_space<vmem>>, vector<16xf32>,
      %add3A_240 = arith.constant 144 : i32
      %add3A_241 = arith.addi %mul3A_204, %add3A_240 : i32
      %swap3A_242 = arith.index_cast %add3A_241 : i32 to index
      %swap3A_243 = tpu.vector_load %arg6[%swap3A_242] {strides = array<i32>} : memref<57344xf32, #tpu.memory_space<vmem>>, vector<16xf32>,
      tpu.vector_store %arg6[%swap3A_242], %broadcast_in_dim3A_59 {strides = array<i32>} : memref<57344xf32, #tpu.memory_space<vmem>>, vector<16xf32>,
      %add3A_244 = arith.constant 160 : i32
      %add3A_245 = arith.addi %mul3A_204, %add3A_244 : i32
      %swap3A_246 = arith.index_cast %add3A_245 : i32 to index
      %swap3A_247 = tpu.vector_load %arg6[%swap3A_246] {strides = array<i32>} : memref<57344xf32, #tpu.memory_space<vmem>>, vector<16xf32>,
      tpu.vector_store %arg6[%swap3A_246], %broadcast_in_dim3A_59 {strides = array<i32>} : memref<57344xf32, #tpu.memory_space<vmem>>, vector<16xf32>,
      %add3A_248 = arith.constant 176 : i32
      %add3A_249 = arith.addi %mul3A_204, %add3A_248 : i32
      %swap3A_250 = arith.index_cast %add3A_249 : i32 to index
      %swap3A_251 = tpu.vector_load %arg6[%swap3A_250] {strides = array<i32>} : memref<57344xf32, #tpu.memory_space<vmem>>, vector<16xf32>,
      tpu.vector_store %arg6[%swap3A_250], %broadcast_in_dim3A_59 {strides = array<i32>} : memref<57344xf32, #tpu.memory_space<vmem>>, vector<16xf32>,
      %add3A_252 = arith.constant 192 : i32
      %add3A_253 = arith.addi %mul3A_204, %add3A_252 : i32
      %swap3A_254 = arith.index_cast %add3A_253 : i32 to index
      %swap3A_255 = tpu.vector_load %arg6[%swap3A_254] {strides = array<i32>} : memref<57344xf32, #tpu.memory_space<vmem>>, vector<16xf32>,
      tpu.vector_store %arg6[%swap3A_254], %broadcast_in_dim3A_59 {strides = array<i32>} : memref<57344xf32, #tpu.memory_space<vmem>>, vector<16xf32>,
      %add3A_256 = arith.constant 208 : i32
      %add3A_257 = arith.addi %mul3A_204, %add3A_256 : i32
      %swap3A_258 = arith.index_cast %add3A_257 : i32 to index
      %swap3A_259 = tpu.vector_load %arg6[%swap3A_258] {strides = array<i32>} : memref<57344xf32, #tpu.memory_space<vmem>>, vector<16xf32>,
      tpu.vector_store %arg6[%swap3A_258], %broadcast_in_dim3A_59 {strides = array<i32>} : memref<57344xf32, #tpu.memory_space<vmem>>, vector<16xf32>,
      %add3A_260 = arith.constant 224 : i32
      %add3A_261 = arith.addi %mul3A_204, %add3A_260 : i32
      %swap3A_262 = arith.index_cast %add3A_261 : i32 to index
      %swap3A_263 = tpu.vector_load %arg6[%swap3A_262] {strides = array<i32>} : memref<57344xf32, #tpu.memory_space<vmem>>, vector<16xf32>,
      tpu.vector_store %arg6[%swap3A_262], %broadcast_in_dim3A_59 {strides = array<i32>} : memref<57344xf32, #tpu.memory_space<vmem>>, vector<16xf32>,
      %add3A_264 = arith.constant 240 : i32
      %add3A_265 = arith.addi %mul3A_204, %add3A_264 : i32
      %swap3A_266 = arith.index_cast %add3A_265 : i32 to index
      %swap3A_267 = tpu.vector_load %arg6[%swap3A_266] {strides = array<i32>} : memref<57344xf32, #tpu.memory_space<vmem>>, vector<16xf32>,
      tpu.vector_store %arg6[%swap3A_266], %broadcast_in_dim3A_59 {strides = array<i32>} : memref<57344xf32, #tpu.memory_space<vmem>>, vector<16xf32>,
      %scan3A_268 = arith.constant 0 : i32
      scf.yield %scan3A_268 : i32
    }
    %scan3A_66 = arith.constant 224 : i32
    %broadcast_in_dim3A_67 = arith.constant 1.000000e+00 : f32
    %broadcast_in_dim3A_68 = vector.broadcast %broadcast_in_dim3A_67 : f32 to vector<16xf32>
    %iota3A_69 = tpu.iota {dimensions = array<i32: 0>} : vector<16xi32>
    %scan3A_70 = arith.constant 0 : i32
    %scan3A_71 = arith.constant 0 : i32
    %scan3A_72 = arith.constant 14 : i32
    %scan3A_73 = arith.addi %scan3A_71, %scan3A_72 : i32
    %scan3A_74 = arith.constant 1 : i32
    %scan3A_75 = scf.for %scan3A_201 = %scan3A_71 to %scan3A_73 step %scan3A_74 iter_args(%scan3A_202 = %scan3A_70) -> (i32)  : i32 {
      %mul3A_203 = arith.constant 16 : i32
      %mul3A_204 = arith.muli %scan3A_201, %mul3A_203 : i32
      %mul3A_205 = arith.constant 6 : i32
      %mul3A_206 = arith.muli %mul3A_204, %mul3A_205 : i32
      %mul3A_207 = arith.constant 6 : i32
      %mul3A_208 = vector.broadcast %mul3A_207 : i32 to vector<16xi32>
      %mul3A_209 = arith.muli %iota3A_69, %mul3A_208 : vector<16xi32>
      %add3A_210 = vector.broadcast %mul3A_206 : i32 to vector<16xi32>
      %add3A_211 = arith.addi %add3A_210, %mul3A_209 : vector<16xi32>
      %add3A_212 = vector.broadcast %mul3A_204 : i32 to vector<16xi32>
      %add3A_213 = arith.addi %add3A_212, %iota3A_69 : vector<16xi32>
      %mul3A_214 = arith.constant 256 : i32
      %mul3A_215 = vector.broadcast %mul3A_214 : i32 to vector<16xi32>
      %mul3A_216 = arith.muli %add3A_213, %mul3A_215 : vector<16xi32>
      %add3A_217 = arith.constant 0 : i32
      %add3A_218 = vector.broadcast %add3A_217 : i32 to vector<16xi32>
      %add3A_219 = arith.addi %add3A_211, %add3A_218 : vector<16xi32>
      %gather3A = tpu.vector_load_idx %arg4[%add3A_219] : memref<1344xi32, #tpu.memory_space<vmem>>[vector<16xi32>], vector<16xi32>,
      %add3A_220 = arith.addi %mul3A_216, %gather3A : vector<16xi32>
      tpu.vector_store_idx %arg6[%add3A_220], %broadcast_in_dim3A_68 {add = true} : memref<57344xf32, #tpu.memory_space<vmem>>[vector<16xi32>], vector<16xf32>,
      %add3A_221 = arith.constant 1 : i32
      %add3A_222 = vector.broadcast %add3A_221 : i32 to vector<16xi32>
      %add3A_223 = arith.addi %add3A_211, %add3A_222 : vector<16xi32>
      %gather3A_224 = tpu.vector_load_idx %arg4[%add3A_223] : memref<1344xi32, #tpu.memory_space<vmem>>[vector<16xi32>], vector<16xi32>,
      %add3A_225 = arith.addi %mul3A_216, %gather3A_224 : vector<16xi32>
      tpu.vector_store_idx %arg6[%add3A_225], %broadcast_in_dim3A_68 {add = true} : memref<57344xf32, #tpu.memory_space<vmem>>[vector<16xi32>], vector<16xf32>,
      %add3A_226 = arith.constant 2 : i32
      %add3A_227 = vector.broadcast %add3A_226 : i32 to vector<16xi32>
      %add3A_228 = arith.addi %add3A_211, %add3A_227 : vector<16xi32>
      %gather3A_229 = tpu.vector_load_idx %arg4[%add3A_228] : memref<1344xi32, #tpu.memory_space<vmem>>[vector<16xi32>], vector<16xi32>,
      %add3A_230 = arith.addi %mul3A_216, %gather3A_229 : vector<16xi32>
      tpu.vector_store_idx %arg6[%add3A_230], %broadcast_in_dim3A_68 {add = true} : memref<57344xf32, #tpu.memory_space<vmem>>[vector<16xi32>], vector<16xf32>,
      %add3A_231 = arith.constant 3 : i32
      %add3A_232 = vector.broadcast %add3A_231 : i32 to vector<16xi32>
      %add3A_233 = arith.addi %add3A_211, %add3A_232 : vector<16xi32>
      %gather3A_234 = tpu.vector_load_idx %arg4[%add3A_233] : memref<1344xi32, #tpu.memory_space<vmem>>[vector<16xi32>], vector<16xi32>,
      %add3A_235 = arith.addi %mul3A_216, %gather3A_234 : vector<16xi32>
      tpu.vector_store_idx %arg6[%add3A_235], %broadcast_in_dim3A_68 {add = true} : memref<57344xf32, #tpu.memory_space<vmem>>[vector<16xi32>], vector<16xf32>,
      %add3A_236 = arith.constant 4 : i32
      %add3A_237 = vector.broadcast %add3A_236 : i32 to vector<16xi32>
      %add3A_238 = arith.addi %add3A_211, %add3A_237 : vector<16xi32>
      %gather3A_239 = tpu.vector_load_idx %arg4[%add3A_238] : memref<1344xi32, #tpu.memory_space<vmem>>[vector<16xi32>], vector<16xi32>,
      %add3A_240 = arith.addi %mul3A_216, %gather3A_239 : vector<16xi32>
      tpu.vector_store_idx %arg6[%add3A_240], %broadcast_in_dim3A_68 {add = true} : memref<57344xf32, #tpu.memory_space<vmem>>[vector<16xi32>], vector<16xf32>,
      %add3A_241 = arith.constant 5 : i32
      %add3A_242 = vector.broadcast %add3A_241 : i32 to vector<16xi32>
      %add3A_243 = arith.addi %add3A_211, %add3A_242 : vector<16xi32>
      %gather3A_244 = tpu.vector_load_idx %arg4[%add3A_243] : memref<1344xi32, #tpu.memory_space<vmem>>[vector<16xi32>], vector<16xi32>,
      %add3A_245 = arith.addi %mul3A_216, %gather3A_244 : vector<16xi32>
      tpu.vector_store_idx %arg6[%add3A_245], %broadcast_in_dim3A_68 {add = true} : memref<57344xf32, #tpu.memory_space<vmem>>[vector<16xi32>], vector<16xf32>,
      %scan3A_246 = arith.constant 0 : i32
      scf.yield %scan3A_246 : i32
    }
    %scan3A_76 = arith.constant 14 : i32
    %mul3A_77 = arith.constant 256 : i32
    %mul3A_78 = arith.muli %add3A_54, %mul3A_77 : i32
    %dma_start3A_79 = tpu.memref_slice %arg3[%mul3A_78] : memref<12845056xf32, #tpu.memory_space<hbm>> -> memref<57344xf32, #tpu.memory_space<hbm>>
    %dma_start3A_80 = tpu.memref_slice %arg3[%mul3A_78] : memref<12845056xf32, #tpu.memory_space<hbm>> -> memref<57344xf32, #tpu.memory_space<hbm>>
    tpu.enqueue_dma source(%arg6 : memref<57344xf32, #tpu.memory_space<vmem>>) target(%dma_start3A_80 : memref<57344xf32, #tpu.memory_space<hbm>>) target_semaphore(%arg8 : memref<!tpu.dma_semaphore, #tpu.memory_space<semaphore_mem>>)
    %add3A_81 = arith.constant 672 : i32
    %add3A_82 = arith.addi %mul3A_2, %add3A_81 : i32
    %dma_wait3A_83 = tpu.memref_slice %arg3[%mul3A_50] : memref<12845056xf32, #tpu.memory_space<hbm>> -> memref<57344xf32, #tpu.memory_space<hbm>>
    %dma_wait3A_84 = tpu.memref_slice %arg3[%mul3A_50] : memref<12845056xf32, #tpu.memory_space<hbm>> -> memref<57344xf32, #tpu.memory_space<hbm>>
    tpu.wait_dma2 semaphore(%arg9 : memref<!tpu.dma_semaphore, #tpu.memory_space<semaphore_mem>>) src(%arg7 : memref<57344xf32, #tpu.memory_space<vmem>>) dst(%dma_wait3A_84 : memref<57344xf32, #tpu.memory_space<hbm>>)
    %mul3A_85 = arith.constant 6 : i32
    %mul3A_86 = arith.muli %add3A_82, %mul3A_85 : i32
    "tpu.region"() ({
      %run_scoped3A = tpu.sem_alloc : memref<!tpu.dma_semaphore, #tpu.memory_space<semaphore_mem>>
      %dma_start3A_201 = tpu.memref_slice %arg2[%mul3A_86] : memref<301056xi32, #tpu.memory_space<hbm>> -> memref<1344xi32, #tpu.memory_space<hbm>>
      %dma_start3A_202 = tpu.memref_slice %arg2[%mul3A_86] : memref<301056xi32, #tpu.memory_space<hbm>> -> memref<1344xi32, #tpu.memory_space<hbm>>
      tpu.enqueue_dma source(%dma_start3A_202 : memref<1344xi32, #tpu.memory_space<hbm>>) target(%arg5 : memref<1344xi32, #tpu.memory_space<vmem>>) target_semaphore(%run_scoped3A : memref<!tpu.dma_semaphore, #tpu.memory_space<semaphore_mem>>)
      %dma_wait3A_203 = tpu.memref_slice %arg2[%mul3A_86] : memref<301056xi32, #tpu.memory_space<hbm>> -> memref<1344xi32, #tpu.memory_space<hbm>>
      %dma_wait3A_204 = tpu.memref_slice %arg2[%mul3A_86] : memref<301056xi32, #tpu.memory_space<hbm>> -> memref<1344xi32, #tpu.memory_space<hbm>>
      tpu.wait_dma2 semaphore(%run_scoped3A : memref<!tpu.dma_semaphore, #tpu.memory_space<semaphore_mem>>) src(%dma_wait3A_204 : memref<1344xi32, #tpu.memory_space<hbm>>) dst(%arg5 : memref<1344xi32, #tpu.memory_space<vmem>>)
      tpu.yield
    }) : () -> ()
    %broadcast_in_dim3A_87 = arith.constant 0.000000e+00 : f32
    %broadcast_in_dim3A_88 = vector.broadcast %broadcast_in_dim3A_87 : f32 to vector<16xf32>
    %scan3A_89 = arith.constant 0 : i32
    %scan3A_90 = arith.constant 0 : i32
    %scan3A_91 = arith.constant 224 : i32
    %scan3A_92 = arith.addi %scan3A_90, %scan3A_91 : i32
    %scan3A_93 = arith.constant 1 : i32
    %scan3A_94 = scf.for %scan3A_201 = %scan3A_90 to %scan3A_92 step %scan3A_93 iter_args(%scan3A_202 = %scan3A_89) -> (i32)  : i32 {
      %mul3A_203 = arith.constant 256 : i32
      %mul3A_204 = arith.muli %scan3A_201, %mul3A_203 : i32
      %add3A_205 = arith.constant 0 : i32
      %add3A_206 = arith.addi %mul3A_204, %add3A_205 : i32
      %swap3A = arith.index_cast %add3A_206 : i32 to index
      %swap3A_207 = tpu.vector_load %arg7[%swap3A] {strides = array<i32>} : memref<57344xf32, #tpu.memory_space<vmem>>, vector<16xf32>,
      tpu.vector_store %arg7[%swap3A], %broadcast_in_dim3A_88 {strides = array<i32>} : memref<57344xf32, #tpu.memory_space<vmem>>, vector<16xf32>,
      %add3A_208 = arith.constant 16 : i32
      %add3A_209 = arith.addi %mul3A_204, %add3A_208 : i32
      %swap3A_210 = arith.index_cast %add3A_209 : i32 to index
      %swap3A_211 = tpu.vector_load %arg7[%swap3A_210] {strides = array<i32>} : memref<57344xf32, #tpu.memory_space<vmem>>, vector<16xf32>,
      tpu.vector_store %arg7[%swap3A_210], %broadcast_in_dim3A_88 {strides = array<i32>} : memref<57344xf32, #tpu.memory_space<vmem>>, vector<16xf32>,
      %add3A_212 = arith.constant 32 : i32
      %add3A_213 = arith.addi %mul3A_204, %add3A_212 : i32
      %swap3A_214 = arith.index_cast %add3A_213 : i32 to index
      %swap3A_215 = tpu.vector_load %arg7[%swap3A_214] {strides = array<i32>} : memref<57344xf32, #tpu.memory_space<vmem>>, vector<16xf32>,
      tpu.vector_store %arg7[%swap3A_214], %broadcast_in_dim3A_88 {strides = array<i32>} : memref<57344xf32, #tpu.memory_space<vmem>>, vector<16xf32>,
      %add3A_216 = arith.constant 48 : i32
      %add3A_217 = arith.addi %mul3A_204, %add3A_216 : i32
      %swap3A_218 = arith.index_cast %add3A_217 : i32 to index
      %swap3A_219 = tpu.vector_load %arg7[%swap3A_218] {strides = array<i32>} : memref<57344xf32, #tpu.memory_space<vmem>>, vector<16xf32>,
      tpu.vector_store %arg7[%swap3A_218], %broadcast_in_dim3A_88 {strides = array<i32>} : memref<57344xf32, #tpu.memory_space<vmem>>, vector<16xf32>,
      %add3A_220 = arith.constant 64 : i32
      %add3A_221 = arith.addi %mul3A_204, %add3A_220 : i32
      %swap3A_222 = arith.index_cast %add3A_221 : i32 to index
      %swap3A_223 = tpu.vector_load %arg7[%swap3A_222] {strides = array<i32>} : memref<57344xf32, #tpu.memory_space<vmem>>, vector<16xf32>,
      tpu.vector_store %arg7[%swap3A_222], %broadcast_in_dim3A_88 {strides = array<i32>} : memref<57344xf32, #tpu.memory_space<vmem>>, vector<16xf32>,
      %add3A_224 = arith.constant 80 : i32
      %add3A_225 = arith.addi %mul3A_204, %add3A_224 : i32
      %swap3A_226 = arith.index_cast %add3A_225 : i32 to index
      %swap3A_227 = tpu.vector_load %arg7[%swap3A_226] {strides = array<i32>} : memref<57344xf32, #tpu.memory_space<vmem>>, vector<16xf32>,
      tpu.vector_store %arg7[%swap3A_226], %broadcast_in_dim3A_88 {strides = array<i32>} : memref<57344xf32, #tpu.memory_space<vmem>>, vector<16xf32>,
      %add3A_228 = arith.constant 96 : i32
      %add3A_229 = arith.addi %mul3A_204, %add3A_228 : i32
      %swap3A_230 = arith.index_cast %add3A_229 : i32 to index
      %swap3A_231 = tpu.vector_load %arg7[%swap3A_230] {strides = array<i32>} : memref<57344xf32, #tpu.memory_space<vmem>>, vector<16xf32>,
      tpu.vector_store %arg7[%swap3A_230], %broadcast_in_dim3A_88 {strides = array<i32>} : memref<57344xf32, #tpu.memory_space<vmem>>, vector<16xf32>,
      %add3A_232 = arith.constant 112 : i32
      %add3A_233 = arith.addi %mul3A_204, %add3A_232 : i32
      %swap3A_234 = arith.index_cast %add3A_233 : i32 to index
      %swap3A_235 = tpu.vector_load %arg7[%swap3A_234] {strides = array<i32>} : memref<57344xf32, #tpu.memory_space<vmem>>, vector<16xf32>,
      tpu.vector_store %arg7[%swap3A_234], %broadcast_in_dim3A_88 {strides = array<i32>} : memref<57344xf32, #tpu.memory_space<vmem>>, vector<16xf32>,
      %add3A_236 = arith.constant 128 : i32
      %add3A_237 = arith.addi %mul3A_204, %add3A_236 : i32
      %swap3A_238 = arith.index_cast %add3A_237 : i32 to index
      %swap3A_239 = tpu.vector_load %arg7[%swap3A_238] {strides = array<i32>} : memref<57344xf32, #tpu.memory_space<vmem>>, vector<16xf32>,
      tpu.vector_store %arg7[%swap3A_238], %broadcast_in_dim3A_88 {strides = array<i32>} : memref<57344xf32, #tpu.memory_space<vmem>>, vector<16xf32>,
      %add3A_240 = arith.constant 144 : i32
      %add3A_241 = arith.addi %mul3A_204, %add3A_240 : i32
      %swap3A_242 = arith.index_cast %add3A_241 : i32 to index
      %swap3A_243 = tpu.vector_load %arg7[%swap3A_242] {strides = array<i32>} : memref<57344xf32, #tpu.memory_space<vmem>>, vector<16xf32>,
      tpu.vector_store %arg7[%swap3A_242], %broadcast_in_dim3A_88 {strides = array<i32>} : memref<57344xf32, #tpu.memory_space<vmem>>, vector<16xf32>,
      %add3A_244 = arith.constant 160 : i32
      %add3A_245 = arith.addi %mul3A_204, %add3A_244 : i32
      %swap3A_246 = arith.index_cast %add3A_245 : i32 to index
      %swap3A_247 = tpu.vector_load %arg7[%swap3A_246] {strides = array<i32>} : memref<57344xf32, #tpu.memory_space<vmem>>, vector<16xf32>,
      tpu.vector_store %arg7[%swap3A_246], %broadcast_in_dim3A_88 {strides = array<i32>} : memref<57344xf32, #tpu.memory_space<vmem>>, vector<16xf32>,
      %add3A_248 = arith.constant 176 : i32
      %add3A_249 = arith.addi %mul3A_204, %add3A_248 : i32
      %swap3A_250 = arith.index_cast %add3A_249 : i32 to index
      %swap3A_251 = tpu.vector_load %arg7[%swap3A_250] {strides = array<i32>} : memref<57344xf32, #tpu.memory_space<vmem>>, vector<16xf32>,
      tpu.vector_store %arg7[%swap3A_250], %broadcast_in_dim3A_88 {strides = array<i32>} : memref<57344xf32, #tpu.memory_space<vmem>>, vector<16xf32>,
      %add3A_252 = arith.constant 192 : i32
      %add3A_253 = arith.addi %mul3A_204, %add3A_252 : i32
      %swap3A_254 = arith.index_cast %add3A_253 : i32 to index
      %swap3A_255 = tpu.vector_load %arg7[%swap3A_254] {strides = array<i32>} : memref<57344xf32, #tpu.memory_space<vmem>>, vector<16xf32>,
      tpu.vector_store %arg7[%swap3A_254], %broadcast_in_dim3A_88 {strides = array<i32>} : memref<57344xf32, #tpu.memory_space<vmem>>, vector<16xf32>,
      %add3A_256 = arith.constant 208 : i32
      %add3A_257 = arith.addi %mul3A_204, %add3A_256 : i32
      %swap3A_258 = arith.index_cast %add3A_257 : i32 to index
      %swap3A_259 = tpu.vector_load %arg7[%swap3A_258] {strides = array<i32>} : memref<57344xf32, #tpu.memory_space<vmem>>, vector<16xf32>,
      tpu.vector_store %arg7[%swap3A_258], %broadcast_in_dim3A_88 {strides = array<i32>} : memref<57344xf32, #tpu.memory_space<vmem>>, vector<16xf32>,
      %add3A_260 = arith.constant 224 : i32
      %add3A_261 = arith.addi %mul3A_204, %add3A_260 : i32
      %swap3A_262 = arith.index_cast %add3A_261 : i32 to index
      %swap3A_263 = tpu.vector_load %arg7[%swap3A_262] {strides = array<i32>} : memref<57344xf32, #tpu.memory_space<vmem>>, vector<16xf32>,
      tpu.vector_store %arg7[%swap3A_262], %broadcast_in_dim3A_88 {strides = array<i32>} : memref<57344xf32, #tpu.memory_space<vmem>>, vector<16xf32>,
      %add3A_264 = arith.constant 240 : i32
      %add3A_265 = arith.addi %mul3A_204, %add3A_264 : i32
      %swap3A_266 = arith.index_cast %add3A_265 : i32 to index
      %swap3A_267 = tpu.vector_load %arg7[%swap3A_266] {strides = array<i32>} : memref<57344xf32, #tpu.memory_space<vmem>>, vector<16xf32>,
      tpu.vector_store %arg7[%swap3A_266], %broadcast_in_dim3A_88 {strides = array<i32>} : memref<57344xf32, #tpu.memory_space<vmem>>, vector<16xf32>,
      %scan3A_268 = arith.constant 0 : i32
      scf.yield %scan3A_268 : i32
    }
    %scan3A_95 = arith.constant 224 : i32
    %broadcast_in_dim3A_96 = arith.constant 1.000000e+00 : f32
    %broadcast_in_dim3A_97 = vector.broadcast %broadcast_in_dim3A_96 : f32 to vector<16xf32>
    %iota3A_98 = tpu.iota {dimensions = array<i32: 0>} : vector<16xi32>
    %scan3A_99 = arith.constant 0 : i32
    %scan3A_100 = arith.constant 0 : i32
    %scan3A_101 = arith.constant 14 : i32
    %scan3A_102 = arith.addi %scan3A_100, %scan3A_101 : i32
    %scan3A_103 = arith.constant 1 : i32
    %scan3A_104 = scf.for %scan3A_201 = %scan3A_100 to %scan3A_102 step %scan3A_103 iter_args(%scan3A_202 = %scan3A_99) -> (i32)  : i32 {
      %mul3A_203 = arith.constant 16 : i32
      %mul3A_204 = arith.muli %scan3A_201, %mul3A_203 : i32
      %mul3A_205 = arith.constant 6 : i32
      %mul3A_206 = arith.muli %mul3A_204, %mul3A_205 : i32
      %mul3A_207 = arith.constant 6 : i32
      %mul3A_208 = vector.broadcast %mul3A_207 : i32 to vector<16xi32>
      %mul3A_209 = arith.muli %iota3A_98, %mul3A_208 : vector<16xi32>
      %add3A_210 = vector.broadcast %mul3A_206 : i32 to vector<16xi32>
      %add3A_211 = arith.addi %add3A_210, %mul3A_209 : vector<16xi32>
      %add3A_212 = vector.broadcast %mul3A_204 : i32 to vector<16xi32>
      %add3A_213 = arith.addi %add3A_212, %iota3A_98 : vector<16xi32>
      %mul3A_214 = arith.constant 256 : i32
      %mul3A_215 = vector.broadcast %mul3A_214 : i32 to vector<16xi32>
      %mul3A_216 = arith.muli %add3A_213, %mul3A_215 : vector<16xi32>
      %add3A_217 = arith.constant 0 : i32
      %add3A_218 = vector.broadcast %add3A_217 : i32 to vector<16xi32>
      %add3A_219 = arith.addi %add3A_211, %add3A_218 : vector<16xi32>
      %gather3A = tpu.vector_load_idx %arg5[%add3A_219] : memref<1344xi32, #tpu.memory_space<vmem>>[vector<16xi32>], vector<16xi32>,
      %add3A_220 = arith.addi %mul3A_216, %gather3A : vector<16xi32>
      tpu.vector_store_idx %arg7[%add3A_220], %broadcast_in_dim3A_97 {add = true} : memref<57344xf32, #tpu.memory_space<vmem>>[vector<16xi32>], vector<16xf32>,
      %add3A_221 = arith.constant 1 : i32
      %add3A_222 = vector.broadcast %add3A_221 : i32 to vector<16xi32>
      %add3A_223 = arith.addi %add3A_211, %add3A_222 : vector<16xi32>
      %gather3A_224 = tpu.vector_load_idx %arg5[%add3A_223] : memref<1344xi32, #tpu.memory_space<vmem>>[vector<16xi32>], vector<16xi32>,
      %add3A_225 = arith.addi %mul3A_216, %gather3A_224 : vector<16xi32>
      tpu.vector_store_idx %arg7[%add3A_225], %broadcast_in_dim3A_97 {add = true} : memref<57344xf32, #tpu.memory_space<vmem>>[vector<16xi32>], vector<16xf32>,
      %add3A_226 = arith.constant 2 : i32
      %add3A_227 = vector.broadcast %add3A_226 : i32 to vector<16xi32>
      %add3A_228 = arith.addi %add3A_211, %add3A_227 : vector<16xi32>
      %gather3A_229 = tpu.vector_load_idx %arg5[%add3A_228] : memref<1344xi32, #tpu.memory_space<vmem>>[vector<16xi32>], vector<16xi32>,
      %add3A_230 = arith.addi %mul3A_216, %gather3A_229 : vector<16xi32>
      tpu.vector_store_idx %arg7[%add3A_230], %broadcast_in_dim3A_97 {add = true} : memref<57344xf32, #tpu.memory_space<vmem>>[vector<16xi32>], vector<16xf32>,
      %add3A_231 = arith.constant 3 : i32
      %add3A_232 = vector.broadcast %add3A_231 : i32 to vector<16xi32>
      %add3A_233 = arith.addi %add3A_211, %add3A_232 : vector<16xi32>
      %gather3A_234 = tpu.vector_load_idx %arg5[%add3A_233] : memref<1344xi32, #tpu.memory_space<vmem>>[vector<16xi32>], vector<16xi32>,
      %add3A_235 = arith.addi %mul3A_216, %gather3A_234 : vector<16xi32>
      tpu.vector_store_idx %arg7[%add3A_235], %broadcast_in_dim3A_97 {add = true} : memref<57344xf32, #tpu.memory_space<vmem>>[vector<16xi32>], vector<16xf32>,
      %add3A_236 = arith.constant 4 : i32
      %add3A_237 = vector.broadcast %add3A_236 : i32 to vector<16xi32>
      %add3A_238 = arith.addi %add3A_211, %add3A_237 : vector<16xi32>
      %gather3A_239 = tpu.vector_load_idx %arg5[%add3A_238] : memref<1344xi32, #tpu.memory_space<vmem>>[vector<16xi32>], vector<16xi32>,
      %add3A_240 = arith.addi %mul3A_216, %gather3A_239 : vector<16xi32>
      tpu.vector_store_idx %arg7[%add3A_240], %broadcast_in_dim3A_97 {add = true} : memref<57344xf32, #tpu.memory_space<vmem>>[vector<16xi32>], vector<16xf32>,
      %add3A_241 = arith.constant 5 : i32
      %add3A_242 = vector.broadcast %add3A_241 : i32 to vector<16xi32>
      %add3A_243 = arith.addi %add3A_211, %add3A_242 : vector<16xi32>
      %gather3A_244 = tpu.vector_load_idx %arg5[%add3A_243] : memref<1344xi32, #tpu.memory_space<vmem>>[vector<16xi32>], vector<16xi32>,
      %add3A_245 = arith.addi %mul3A_216, %gather3A_244 : vector<16xi32>
      tpu.vector_store_idx %arg7[%add3A_245], %broadcast_in_dim3A_97 {add = true} : memref<57344xf32, #tpu.memory_space<vmem>>[vector<16xi32>], vector<16xf32>,
      %scan3A_246 = arith.constant 0 : i32
      scf.yield %scan3A_246 : i32
    }
    %scan3A_105 = arith.constant 14 : i32
    %mul3A_106 = arith.constant 256 : i32
    %mul3A_107 = arith.muli %add3A_82, %mul3A_106 : i32
    %dma_start3A_108 = tpu.memref_slice %arg3[%mul3A_107] : memref<12845056xf32, #tpu.memory_space<hbm>> -> memref<57344xf32, #tpu.memory_space<hbm>>
    %dma_start3A_109 = tpu.memref_slice %arg3[%mul3A_107] : memref<12845056xf32, #tpu.memory_space<hbm>> -> memref<57344xf32, #tpu.memory_space<hbm>>
    tpu.enqueue_dma source(%arg7 : memref<57344xf32, #tpu.memory_space<vmem>>) target(%dma_start3A_109 : memref<57344xf32, #tpu.memory_space<hbm>>) target_semaphore(%arg9 : memref<!tpu.dma_semaphore, #tpu.memory_space<semaphore_mem>>)
    %add3A_110 = arith.constant 896 : i32
    %add3A_111 = arith.addi %mul3A_2, %add3A_110 : i32
    %dma_wait3A_112 = tpu.memref_slice %arg3[%mul3A_78] : memref<12845056xf32, #tpu.memory_space<hbm>> -> memref<57344xf32, #tpu.memory_space<hbm>>
    %dma_wait3A_113 = tpu.memref_slice %arg3[%mul3A_78] : memref<12845056xf32, #tpu.memory_space<hbm>> -> memref<57344xf32, #tpu.memory_space<hbm>>
    tpu.wait_dma2 semaphore(%arg8 : memref<!tpu.dma_semaphore, #tpu.memory_space<semaphore_mem>>) src(%arg6 : memref<57344xf32, #tpu.memory_space<vmem>>) dst(%dma_wait3A_113 : memref<57344xf32, #tpu.memory_space<hbm>>)
    %mul3A_114 = arith.constant 6 : i32
    %mul3A_115 = arith.muli %add3A_111, %mul3A_114 : i32
    "tpu.region"() ({
      %run_scoped3A = tpu.sem_alloc : memref<!tpu.dma_semaphore, #tpu.memory_space<semaphore_mem>>
      %dma_start3A_201 = tpu.memref_slice %arg2[%mul3A_115] : memref<301056xi32, #tpu.memory_space<hbm>> -> memref<1344xi32, #tpu.memory_space<hbm>>
      %dma_start3A_202 = tpu.memref_slice %arg2[%mul3A_115] : memref<301056xi32, #tpu.memory_space<hbm>> -> memref<1344xi32, #tpu.memory_space<hbm>>
      tpu.enqueue_dma source(%dma_start3A_202 : memref<1344xi32, #tpu.memory_space<hbm>>) target(%arg4 : memref<1344xi32, #tpu.memory_space<vmem>>) target_semaphore(%run_scoped3A : memref<!tpu.dma_semaphore, #tpu.memory_space<semaphore_mem>>)
      %dma_wait3A_203 = tpu.memref_slice %arg2[%mul3A_115] : memref<301056xi32, #tpu.memory_space<hbm>> -> memref<1344xi32, #tpu.memory_space<hbm>>
      %dma_wait3A_204 = tpu.memref_slice %arg2[%mul3A_115] : memref<301056xi32, #tpu.memory_space<hbm>> -> memref<1344xi32, #tpu.memory_space<hbm>>
      tpu.wait_dma2 semaphore(%run_scoped3A : memref<!tpu.dma_semaphore, #tpu.memory_space<semaphore_mem>>) src(%dma_wait3A_204 : memref<1344xi32, #tpu.memory_space<hbm>>) dst(%arg4 : memref<1344xi32, #tpu.memory_space<vmem>>)
      tpu.yield
    }) : () -> ()
    %broadcast_in_dim3A_116 = arith.constant 0.000000e+00 : f32
    %broadcast_in_dim3A_117 = vector.broadcast %broadcast_in_dim3A_116 : f32 to vector<16xf32>
    %scan3A_118 = arith.constant 0 : i32
    %scan3A_119 = arith.constant 0 : i32
    %scan3A_120 = arith.constant 224 : i32
    %scan3A_121 = arith.addi %scan3A_119, %scan3A_120 : i32
    %scan3A_122 = arith.constant 1 : i32
    %scan3A_123 = scf.for %scan3A_201 = %scan3A_119 to %scan3A_121 step %scan3A_122 iter_args(%scan3A_202 = %scan3A_118) -> (i32)  : i32 {
      %mul3A_203 = arith.constant 256 : i32
      %mul3A_204 = arith.muli %scan3A_201, %mul3A_203 : i32
      %add3A_205 = arith.constant 0 : i32
      %add3A_206 = arith.addi %mul3A_204, %add3A_205 : i32
      %swap3A = arith.index_cast %add3A_206 : i32 to index
      %swap3A_207 = tpu.vector_load %arg6[%swap3A] {strides = array<i32>} : memref<57344xf32, #tpu.memory_space<vmem>>, vector<16xf32>,
      tpu.vector_store %arg6[%swap3A], %broadcast_in_dim3A_117 {strides = array<i32>} : memref<57344xf32, #tpu.memory_space<vmem>>, vector<16xf32>,
      %add3A_208 = arith.constant 16 : i32
      %add3A_209 = arith.addi %mul3A_204, %add3A_208 : i32
      %swap3A_210 = arith.index_cast %add3A_209 : i32 to index
      %swap3A_211 = tpu.vector_load %arg6[%swap3A_210] {strides = array<i32>} : memref<57344xf32, #tpu.memory_space<vmem>>, vector<16xf32>,
      tpu.vector_store %arg6[%swap3A_210], %broadcast_in_dim3A_117 {strides = array<i32>} : memref<57344xf32, #tpu.memory_space<vmem>>, vector<16xf32>,
      %add3A_212 = arith.constant 32 : i32
      %add3A_213 = arith.addi %mul3A_204, %add3A_212 : i32
      %swap3A_214 = arith.index_cast %add3A_213 : i32 to index
      %swap3A_215 = tpu.vector_load %arg6[%swap3A_214] {strides = array<i32>} : memref<57344xf32, #tpu.memory_space<vmem>>, vector<16xf32>,
      tpu.vector_store %arg6[%swap3A_214], %broadcast_in_dim3A_117 {strides = array<i32>} : memref<57344xf32, #tpu.memory_space<vmem>>, vector<16xf32>,
      %add3A_216 = arith.constant 48 : i32
      %add3A_217 = arith.addi %mul3A_204, %add3A_216 : i32
      %swap3A_218 = arith.index_cast %add3A_217 : i32 to index
      %swap3A_219 = tpu.vector_load %arg6[%swap3A_218] {strides = array<i32>} : memref<57344xf32, #tpu.memory_space<vmem>>, vector<16xf32>,
      tpu.vector_store %arg6[%swap3A_218], %broadcast_in_dim3A_117 {strides = array<i32>} : memref<57344xf32, #tpu.memory_space<vmem>>, vector<16xf32>,
      %add3A_220 = arith.constant 64 : i32
      %add3A_221 = arith.addi %mul3A_204, %add3A_220 : i32
      %swap3A_222 = arith.index_cast %add3A_221 : i32 to index
      %swap3A_223 = tpu.vector_load %arg6[%swap3A_222] {strides = array<i32>} : memref<57344xf32, #tpu.memory_space<vmem>>, vector<16xf32>,
      tpu.vector_store %arg6[%swap3A_222], %broadcast_in_dim3A_117 {strides = array<i32>} : memref<57344xf32, #tpu.memory_space<vmem>>, vector<16xf32>,
      %add3A_224 = arith.constant 80 : i32
      %add3A_225 = arith.addi %mul3A_204, %add3A_224 : i32
      %swap3A_226 = arith.index_cast %add3A_225 : i32 to index
      %swap3A_227 = tpu.vector_load %arg6[%swap3A_226] {strides = array<i32>} : memref<57344xf32, #tpu.memory_space<vmem>>, vector<16xf32>,
      tpu.vector_store %arg6[%swap3A_226], %broadcast_in_dim3A_117 {strides = array<i32>} : memref<57344xf32, #tpu.memory_space<vmem>>, vector<16xf32>,
      %add3A_228 = arith.constant 96 : i32
      %add3A_229 = arith.addi %mul3A_204, %add3A_228 : i32
      %swap3A_230 = arith.index_cast %add3A_229 : i32 to index
      %swap3A_231 = tpu.vector_load %arg6[%swap3A_230] {strides = array<i32>} : memref<57344xf32, #tpu.memory_space<vmem>>, vector<16xf32>,
      tpu.vector_store %arg6[%swap3A_230], %broadcast_in_dim3A_117 {strides = array<i32>} : memref<57344xf32, #tpu.memory_space<vmem>>, vector<16xf32>,
      %add3A_232 = arith.constant 112 : i32
      %add3A_233 = arith.addi %mul3A_204, %add3A_232 : i32
      %swap3A_234 = arith.index_cast %add3A_233 : i32 to index
      %swap3A_235 = tpu.vector_load %arg6[%swap3A_234] {strides = array<i32>} : memref<57344xf32, #tpu.memory_space<vmem>>, vector<16xf32>,
      tpu.vector_store %arg6[%swap3A_234], %broadcast_in_dim3A_117 {strides = array<i32>} : memref<57344xf32, #tpu.memory_space<vmem>>, vector<16xf32>,
      %add3A_236 = arith.constant 128 : i32
      %add3A_237 = arith.addi %mul3A_204, %add3A_236 : i32
      %swap3A_238 = arith.index_cast %add3A_237 : i32 to index
      %swap3A_239 = tpu.vector_load %arg6[%swap3A_238] {strides = array<i32>} : memref<57344xf32, #tpu.memory_space<vmem>>, vector<16xf32>,
      tpu.vector_store %arg6[%swap3A_238], %broadcast_in_dim3A_117 {strides = array<i32>} : memref<57344xf32, #tpu.memory_space<vmem>>, vector<16xf32>,
      %add3A_240 = arith.constant 144 : i32
      %add3A_241 = arith.addi %mul3A_204, %add3A_240 : i32
      %swap3A_242 = arith.index_cast %add3A_241 : i32 to index
      %swap3A_243 = tpu.vector_load %arg6[%swap3A_242] {strides = array<i32>} : memref<57344xf32, #tpu.memory_space<vmem>>, vector<16xf32>,
      tpu.vector_store %arg6[%swap3A_242], %broadcast_in_dim3A_117 {strides = array<i32>} : memref<57344xf32, #tpu.memory_space<vmem>>, vector<16xf32>,
      %add3A_244 = arith.constant 160 : i32
      %add3A_245 = arith.addi %mul3A_204, %add3A_244 : i32
      %swap3A_246 = arith.index_cast %add3A_245 : i32 to index
      %swap3A_247 = tpu.vector_load %arg6[%swap3A_246] {strides = array<i32>} : memref<57344xf32, #tpu.memory_space<vmem>>, vector<16xf32>,
      tpu.vector_store %arg6[%swap3A_246], %broadcast_in_dim3A_117 {strides = array<i32>} : memref<57344xf32, #tpu.memory_space<vmem>>, vector<16xf32>,
      %add3A_248 = arith.constant 176 : i32
      %add3A_249 = arith.addi %mul3A_204, %add3A_248 : i32
      %swap3A_250 = arith.index_cast %add3A_249 : i32 to index
      %swap3A_251 = tpu.vector_load %arg6[%swap3A_250] {strides = array<i32>} : memref<57344xf32, #tpu.memory_space<vmem>>, vector<16xf32>,
      tpu.vector_store %arg6[%swap3A_250], %broadcast_in_dim3A_117 {strides = array<i32>} : memref<57344xf32, #tpu.memory_space<vmem>>, vector<16xf32>,
      %add3A_252 = arith.constant 192 : i32
      %add3A_253 = arith.addi %mul3A_204, %add3A_252 : i32
      %swap3A_254 = arith.index_cast %add3A_253 : i32 to index
      %swap3A_255 = tpu.vector_load %arg6[%swap3A_254] {strides = array<i32>} : memref<57344xf32, #tpu.memory_space<vmem>>, vector<16xf32>,
      tpu.vector_store %arg6[%swap3A_254], %broadcast_in_dim3A_117 {strides = array<i32>} : memref<57344xf32, #tpu.memory_space<vmem>>, vector<16xf32>,
      %add3A_256 = arith.constant 208 : i32
      %add3A_257 = arith.addi %mul3A_204, %add3A_256 : i32
      %swap3A_258 = arith.index_cast %add3A_257 : i32 to index
      %swap3A_259 = tpu.vector_load %arg6[%swap3A_258] {strides = array<i32>} : memref<57344xf32, #tpu.memory_space<vmem>>, vector<16xf32>,
      tpu.vector_store %arg6[%swap3A_258], %broadcast_in_dim3A_117 {strides = array<i32>} : memref<57344xf32, #tpu.memory_space<vmem>>, vector<16xf32>,
      %add3A_260 = arith.constant 224 : i32
      %add3A_261 = arith.addi %mul3A_204, %add3A_260 : i32
      %swap3A_262 = arith.index_cast %add3A_261 : i32 to index
      %swap3A_263 = tpu.vector_load %arg6[%swap3A_262] {strides = array<i32>} : memref<57344xf32, #tpu.memory_space<vmem>>, vector<16xf32>,
      tpu.vector_store %arg6[%swap3A_262], %broadcast_in_dim3A_117 {strides = array<i32>} : memref<57344xf32, #tpu.memory_space<vmem>>, vector<16xf32>,
      %add3A_264 = arith.constant 240 : i32
      %add3A_265 = arith.addi %mul3A_204, %add3A_264 : i32
      %swap3A_266 = arith.index_cast %add3A_265 : i32 to index
      %swap3A_267 = tpu.vector_load %arg6[%swap3A_266] {strides = array<i32>} : memref<57344xf32, #tpu.memory_space<vmem>>, vector<16xf32>,
      tpu.vector_store %arg6[%swap3A_266], %broadcast_in_dim3A_117 {strides = array<i32>} : memref<57344xf32, #tpu.memory_space<vmem>>, vector<16xf32>,
      %scan3A_268 = arith.constant 0 : i32
      scf.yield %scan3A_268 : i32
    }
    %scan3A_124 = arith.constant 224 : i32
    %broadcast_in_dim3A_125 = arith.constant 1.000000e+00 : f32
    %broadcast_in_dim3A_126 = vector.broadcast %broadcast_in_dim3A_125 : f32 to vector<16xf32>
    %iota3A_127 = tpu.iota {dimensions = array<i32: 0>} : vector<16xi32>
    %scan3A_128 = arith.constant 0 : i32
    %scan3A_129 = arith.constant 0 : i32
    %scan3A_130 = arith.constant 14 : i32
    %scan3A_131 = arith.addi %scan3A_129, %scan3A_130 : i32
    %scan3A_132 = arith.constant 1 : i32
    %scan3A_133 = scf.for %scan3A_201 = %scan3A_129 to %scan3A_131 step %scan3A_132 iter_args(%scan3A_202 = %scan3A_128) -> (i32)  : i32 {
      %mul3A_203 = arith.constant 16 : i32
      %mul3A_204 = arith.muli %scan3A_201, %mul3A_203 : i32
      %mul3A_205 = arith.constant 6 : i32
      %mul3A_206 = arith.muli %mul3A_204, %mul3A_205 : i32
      %mul3A_207 = arith.constant 6 : i32
      %mul3A_208 = vector.broadcast %mul3A_207 : i32 to vector<16xi32>
      %mul3A_209 = arith.muli %iota3A_127, %mul3A_208 : vector<16xi32>
      %add3A_210 = vector.broadcast %mul3A_206 : i32 to vector<16xi32>
      %add3A_211 = arith.addi %add3A_210, %mul3A_209 : vector<16xi32>
      %add3A_212 = vector.broadcast %mul3A_204 : i32 to vector<16xi32>
      %add3A_213 = arith.addi %add3A_212, %iota3A_127 : vector<16xi32>
      %mul3A_214 = arith.constant 256 : i32
      %mul3A_215 = vector.broadcast %mul3A_214 : i32 to vector<16xi32>
      %mul3A_216 = arith.muli %add3A_213, %mul3A_215 : vector<16xi32>
      %add3A_217 = arith.constant 0 : i32
      %add3A_218 = vector.broadcast %add3A_217 : i32 to vector<16xi32>
      %add3A_219 = arith.addi %add3A_211, %add3A_218 : vector<16xi32>
      %gather3A = tpu.vector_load_idx %arg4[%add3A_219] : memref<1344xi32, #tpu.memory_space<vmem>>[vector<16xi32>], vector<16xi32>,
      %add3A_220 = arith.addi %mul3A_216, %gather3A : vector<16xi32>
      tpu.vector_store_idx %arg6[%add3A_220], %broadcast_in_dim3A_126 {add = true} : memref<57344xf32, #tpu.memory_space<vmem>>[vector<16xi32>], vector<16xf32>,
      %add3A_221 = arith.constant 1 : i32
      %add3A_222 = vector.broadcast %add3A_221 : i32 to vector<16xi32>
      %add3A_223 = arith.addi %add3A_211, %add3A_222 : vector<16xi32>
      %gather3A_224 = tpu.vector_load_idx %arg4[%add3A_223] : memref<1344xi32, #tpu.memory_space<vmem>>[vector<16xi32>], vector<16xi32>,
      %add3A_225 = arith.addi %mul3A_216, %gather3A_224 : vector<16xi32>
      tpu.vector_store_idx %arg6[%add3A_225], %broadcast_in_dim3A_126 {add = true} : memref<57344xf32, #tpu.memory_space<vmem>>[vector<16xi32>], vector<16xf32>,
      %add3A_226 = arith.constant 2 : i32
      %add3A_227 = vector.broadcast %add3A_226 : i32 to vector<16xi32>
      %add3A_228 = arith.addi %add3A_211, %add3A_227 : vector<16xi32>
      %gather3A_229 = tpu.vector_load_idx %arg4[%add3A_228] : memref<1344xi32, #tpu.memory_space<vmem>>[vector<16xi32>], vector<16xi32>,
      %add3A_230 = arith.addi %mul3A_216, %gather3A_229 : vector<16xi32>
      tpu.vector_store_idx %arg6[%add3A_230], %broadcast_in_dim3A_126 {add = true} : memref<57344xf32, #tpu.memory_space<vmem>>[vector<16xi32>], vector<16xf32>,
      %add3A_231 = arith.constant 3 : i32
      %add3A_232 = vector.broadcast %add3A_231 : i32 to vector<16xi32>
      %add3A_233 = arith.addi %add3A_211, %add3A_232 : vector<16xi32>
      %gather3A_234 = tpu.vector_load_idx %arg4[%add3A_233] : memref<1344xi32, #tpu.memory_space<vmem>>[vector<16xi32>], vector<16xi32>,
      %add3A_235 = arith.addi %mul3A_216, %gather3A_234 : vector<16xi32>
      tpu.vector_store_idx %arg6[%add3A_235], %broadcast_in_dim3A_126 {add = true} : memref<57344xf32, #tpu.memory_space<vmem>>[vector<16xi32>], vector<16xf32>,
      %add3A_236 = arith.constant 4 : i32
      %add3A_237 = vector.broadcast %add3A_236 : i32 to vector<16xi32>
      %add3A_238 = arith.addi %add3A_211, %add3A_237 : vector<16xi32>
      %gather3A_239 = tpu.vector_load_idx %arg4[%add3A_238] : memref<1344xi32, #tpu.memory_space<vmem>>[vector<16xi32>], vector<16xi32>,
      %add3A_240 = arith.addi %mul3A_216, %gather3A_239 : vector<16xi32>
      tpu.vector_store_idx %arg6[%add3A_240], %broadcast_in_dim3A_126 {add = true} : memref<57344xf32, #tpu.memory_space<vmem>>[vector<16xi32>], vector<16xf32>,
      %add3A_241 = arith.constant 5 : i32
      %add3A_242 = vector.broadcast %add3A_241 : i32 to vector<16xi32>
      %add3A_243 = arith.addi %add3A_211, %add3A_242 : vector<16xi32>
      %gather3A_244 = tpu.vector_load_idx %arg4[%add3A_243] : memref<1344xi32, #tpu.memory_space<vmem>>[vector<16xi32>], vector<16xi32>,
      %add3A_245 = arith.addi %mul3A_216, %gather3A_244 : vector<16xi32>
      tpu.vector_store_idx %arg6[%add3A_245], %broadcast_in_dim3A_126 {add = true} : memref<57344xf32, #tpu.memory_space<vmem>>[vector<16xi32>], vector<16xf32>,
      %scan3A_246 = arith.constant 0 : i32
      scf.yield %scan3A_246 : i32
    }
    %scan3A_134 = arith.constant 14 : i32
    %mul3A_135 = arith.constant 256 : i32
    %mul3A_136 = arith.muli %add3A_111, %mul3A_135 : i32
    %dma_start3A_137 = tpu.memref_slice %arg3[%mul3A_136] : memref<12845056xf32, #tpu.memory_space<hbm>> -> memref<57344xf32, #tpu.memory_space<hbm>>
    %dma_start3A_138 = tpu.memref_slice %arg3[%mul3A_136] : memref<12845056xf32, #tpu.memory_space<hbm>> -> memref<57344xf32, #tpu.memory_space<hbm>>
    tpu.enqueue_dma source(%arg6 : memref<57344xf32, #tpu.memory_space<vmem>>) target(%dma_start3A_138 : memref<57344xf32, #tpu.memory_space<hbm>>) target_semaphore(%arg8 : memref<!tpu.dma_semaphore, #tpu.memory_space<semaphore_mem>>)
    %add3A_139 = arith.constant 1120 : i32
    %add3A_140 = arith.addi %mul3A_2, %add3A_139 : i32
    %dma_wait3A_141 = tpu.memref_slice %arg3[%mul3A_107] : memref<12845056xf32, #tpu.memory_space<hbm>> -> memref<57344xf32, #tpu.memory_space<hbm>>
    %dma_wait3A_142 = tpu.memref_slice %arg3[%mul3A_107] : memref<12845056xf32, #tpu.memory_space<hbm>> -> memref<57344xf32, #tpu.memory_space<hbm>>
    tpu.wait_dma2 semaphore(%arg9 : memref<!tpu.dma_semaphore, #tpu.memory_space<semaphore_mem>>) src(%arg7 : memref<57344xf32, #tpu.memory_space<vmem>>) dst(%dma_wait3A_142 : memref<57344xf32, #tpu.memory_space<hbm>>)
    %mul3A_143 = arith.constant 6 : i32
    %mul3A_144 = arith.muli %add3A_140, %mul3A_143 : i32
    "tpu.region"() ({
      %run_scoped3A = tpu.sem_alloc : memref<!tpu.dma_semaphore, #tpu.memory_space<semaphore_mem>>
      %dma_start3A_201 = tpu.memref_slice %arg2[%mul3A_144] : memref<301056xi32, #tpu.memory_space<hbm>> -> memref<1344xi32, #tpu.memory_space<hbm>>
      %dma_start3A_202 = tpu.memref_slice %arg2[%mul3A_144] : memref<301056xi32, #tpu.memory_space<hbm>> -> memref<1344xi32, #tpu.memory_space<hbm>>
      tpu.enqueue_dma source(%dma_start3A_202 : memref<1344xi32, #tpu.memory_space<hbm>>) target(%arg5 : memref<1344xi32, #tpu.memory_space<vmem>>) target_semaphore(%run_scoped3A : memref<!tpu.dma_semaphore, #tpu.memory_space<semaphore_mem>>)
      %dma_wait3A_203 = tpu.memref_slice %arg2[%mul3A_144] : memref<301056xi32, #tpu.memory_space<hbm>> -> memref<1344xi32, #tpu.memory_space<hbm>>
      %dma_wait3A_204 = tpu.memref_slice %arg2[%mul3A_144] : memref<301056xi32, #tpu.memory_space<hbm>> -> memref<1344xi32, #tpu.memory_space<hbm>>
      tpu.wait_dma2 semaphore(%run_scoped3A : memref<!tpu.dma_semaphore, #tpu.memory_space<semaphore_mem>>) src(%dma_wait3A_204 : memref<1344xi32, #tpu.memory_space<hbm>>) dst(%arg5 : memref<1344xi32, #tpu.memory_space<vmem>>)
      tpu.yield
    }) : () -> ()
    %broadcast_in_dim3A_145 = arith.constant 0.000000e+00 : f32
    %broadcast_in_dim3A_146 = vector.broadcast %broadcast_in_dim3A_145 : f32 to vector<16xf32>
    %scan3A_147 = arith.constant 0 : i32
    %scan3A_148 = arith.constant 0 : i32
    %scan3A_149 = arith.constant 224 : i32
    %scan3A_150 = arith.addi %scan3A_148, %scan3A_149 : i32
    %scan3A_151 = arith.constant 1 : i32
    %scan3A_152 = scf.for %scan3A_201 = %scan3A_148 to %scan3A_150 step %scan3A_151 iter_args(%scan3A_202 = %scan3A_147) -> (i32)  : i32 {
      %mul3A_203 = arith.constant 256 : i32
      %mul3A_204 = arith.muli %scan3A_201, %mul3A_203 : i32
      %add3A_205 = arith.constant 0 : i32
      %add3A_206 = arith.addi %mul3A_204, %add3A_205 : i32
      %swap3A = arith.index_cast %add3A_206 : i32 to index
      %swap3A_207 = tpu.vector_load %arg7[%swap3A] {strides = array<i32>} : memref<57344xf32, #tpu.memory_space<vmem>>, vector<16xf32>,
      tpu.vector_store %arg7[%swap3A], %broadcast_in_dim3A_146 {strides = array<i32>} : memref<57344xf32, #tpu.memory_space<vmem>>, vector<16xf32>,
      %add3A_208 = arith.constant 16 : i32
      %add3A_209 = arith.addi %mul3A_204, %add3A_208 : i32
      %swap3A_210 = arith.index_cast %add3A_209 : i32 to index
      %swap3A_211 = tpu.vector_load %arg7[%swap3A_210] {strides = array<i32>} : memref<57344xf32, #tpu.memory_space<vmem>>, vector<16xf32>,
      tpu.vector_store %arg7[%swap3A_210], %broadcast_in_dim3A_146 {strides = array<i32>} : memref<57344xf32, #tpu.memory_space<vmem>>, vector<16xf32>,
      %add3A_212 = arith.constant 32 : i32
      %add3A_213 = arith.addi %mul3A_204, %add3A_212 : i32
      %swap3A_214 = arith.index_cast %add3A_213 : i32 to index
      %swap3A_215 = tpu.vector_load %arg7[%swap3A_214] {strides = array<i32>} : memref<57344xf32, #tpu.memory_space<vmem>>, vector<16xf32>,
      tpu.vector_store %arg7[%swap3A_214], %broadcast_in_dim3A_146 {strides = array<i32>} : memref<57344xf32, #tpu.memory_space<vmem>>, vector<16xf32>,
      %add3A_216 = arith.constant 48 : i32
      %add3A_217 = arith.addi %mul3A_204, %add3A_216 : i32
      %swap3A_218 = arith.index_cast %add3A_217 : i32 to index
      %swap3A_219 = tpu.vector_load %arg7[%swap3A_218] {strides = array<i32>} : memref<57344xf32, #tpu.memory_space<vmem>>, vector<16xf32>,
      tpu.vector_store %arg7[%swap3A_218], %broadcast_in_dim3A_146 {strides = array<i32>} : memref<57344xf32, #tpu.memory_space<vmem>>, vector<16xf32>,
      %add3A_220 = arith.constant 64 : i32
      %add3A_221 = arith.addi %mul3A_204, %add3A_220 : i32
      %swap3A_222 = arith.index_cast %add3A_221 : i32 to index
      %swap3A_223 = tpu.vector_load %arg7[%swap3A_222] {strides = array<i32>} : memref<57344xf32, #tpu.memory_space<vmem>>, vector<16xf32>,
      tpu.vector_store %arg7[%swap3A_222], %broadcast_in_dim3A_146 {strides = array<i32>} : memref<57344xf32, #tpu.memory_space<vmem>>, vector<16xf32>,
      %add3A_224 = arith.constant 80 : i32
      %add3A_225 = arith.addi %mul3A_204, %add3A_224 : i32
      %swap3A_226 = arith.index_cast %add3A_225 : i32 to index
      %swap3A_227 = tpu.vector_load %arg7[%swap3A_226] {strides = array<i32>} : memref<57344xf32, #tpu.memory_space<vmem>>, vector<16xf32>,
      tpu.vector_store %arg7[%swap3A_226], %broadcast_in_dim3A_146 {strides = array<i32>} : memref<57344xf32, #tpu.memory_space<vmem>>, vector<16xf32>,
      %add3A_228 = arith.constant 96 : i32
      %add3A_229 = arith.addi %mul3A_204, %add3A_228 : i32
      %swap3A_230 = arith.index_cast %add3A_229 : i32 to index
      %swap3A_231 = tpu.vector_load %arg7[%swap3A_230] {strides = array<i32>} : memref<57344xf32, #tpu.memory_space<vmem>>, vector<16xf32>,
      tpu.vector_store %arg7[%swap3A_230], %broadcast_in_dim3A_146 {strides = array<i32>} : memref<57344xf32, #tpu.memory_space<vmem>>, vector<16xf32>,
      %add3A_232 = arith.constant 112 : i32
      %add3A_233 = arith.addi %mul3A_204, %add3A_232 : i32
      %swap3A_234 = arith.index_cast %add3A_233 : i32 to index
      %swap3A_235 = tpu.vector_load %arg7[%swap3A_234] {strides = array<i32>} : memref<57344xf32, #tpu.memory_space<vmem>>, vector<16xf32>,
      tpu.vector_store %arg7[%swap3A_234], %broadcast_in_dim3A_146 {strides = array<i32>} : memref<57344xf32, #tpu.memory_space<vmem>>, vector<16xf32>,
      %add3A_236 = arith.constant 128 : i32
      %add3A_237 = arith.addi %mul3A_204, %add3A_236 : i32
      %swap3A_238 = arith.index_cast %add3A_237 : i32 to index
      %swap3A_239 = tpu.vector_load %arg7[%swap3A_238] {strides = array<i32>} : memref<57344xf32, #tpu.memory_space<vmem>>, vector<16xf32>,
      tpu.vector_store %arg7[%swap3A_238], %broadcast_in_dim3A_146 {strides = array<i32>} : memref<57344xf32, #tpu.memory_space<vmem>>, vector<16xf32>,
      %add3A_240 = arith.constant 144 : i32
      %add3A_241 = arith.addi %mul3A_204, %add3A_240 : i32
      %swap3A_242 = arith.index_cast %add3A_241 : i32 to index
      %swap3A_243 = tpu.vector_load %arg7[%swap3A_242] {strides = array<i32>} : memref<57344xf32, #tpu.memory_space<vmem>>, vector<16xf32>,
      tpu.vector_store %arg7[%swap3A_242], %broadcast_in_dim3A_146 {strides = array<i32>} : memref<57344xf32, #tpu.memory_space<vmem>>, vector<16xf32>,
      %add3A_244 = arith.constant 160 : i32
      %add3A_245 = arith.addi %mul3A_204, %add3A_244 : i32
      %swap3A_246 = arith.index_cast %add3A_245 : i32 to index
      %swap3A_247 = tpu.vector_load %arg7[%swap3A_246] {strides = array<i32>} : memref<57344xf32, #tpu.memory_space<vmem>>, vector<16xf32>,
      tpu.vector_store %arg7[%swap3A_246], %broadcast_in_dim3A_146 {strides = array<i32>} : memref<57344xf32, #tpu.memory_space<vmem>>, vector<16xf32>,
      %add3A_248 = arith.constant 176 : i32
      %add3A_249 = arith.addi %mul3A_204, %add3A_248 : i32
      %swap3A_250 = arith.index_cast %add3A_249 : i32 to index
      %swap3A_251 = tpu.vector_load %arg7[%swap3A_250] {strides = array<i32>} : memref<57344xf32, #tpu.memory_space<vmem>>, vector<16xf32>,
      tpu.vector_store %arg7[%swap3A_250], %broadcast_in_dim3A_146 {strides = array<i32>} : memref<57344xf32, #tpu.memory_space<vmem>>, vector<16xf32>,
      %add3A_252 = arith.constant 192 : i32
      %add3A_253 = arith.addi %mul3A_204, %add3A_252 : i32
      %swap3A_254 = arith.index_cast %add3A_253 : i32 to index
      %swap3A_255 = tpu.vector_load %arg7[%swap3A_254] {strides = array<i32>} : memref<57344xf32, #tpu.memory_space<vmem>>, vector<16xf32>,
      tpu.vector_store %arg7[%swap3A_254], %broadcast_in_dim3A_146 {strides = array<i32>} : memref<57344xf32, #tpu.memory_space<vmem>>, vector<16xf32>,
      %add3A_256 = arith.constant 208 : i32
      %add3A_257 = arith.addi %mul3A_204, %add3A_256 : i32
      %swap3A_258 = arith.index_cast %add3A_257 : i32 to index
      %swap3A_259 = tpu.vector_load %arg7[%swap3A_258] {strides = array<i32>} : memref<57344xf32, #tpu.memory_space<vmem>>, vector<16xf32>,
      tpu.vector_store %arg7[%swap3A_258], %broadcast_in_dim3A_146 {strides = array<i32>} : memref<57344xf32, #tpu.memory_space<vmem>>, vector<16xf32>,
      %add3A_260 = arith.constant 224 : i32
      %add3A_261 = arith.addi %mul3A_204, %add3A_260 : i32
      %swap3A_262 = arith.index_cast %add3A_261 : i32 to index
      %swap3A_263 = tpu.vector_load %arg7[%swap3A_262] {strides = array<i32>} : memref<57344xf32, #tpu.memory_space<vmem>>, vector<16xf32>,
      tpu.vector_store %arg7[%swap3A_262], %broadcast_in_dim3A_146 {strides = array<i32>} : memref<57344xf32, #tpu.memory_space<vmem>>, vector<16xf32>,
      %add3A_264 = arith.constant 240 : i32
      %add3A_265 = arith.addi %mul3A_204, %add3A_264 : i32
      %swap3A_266 = arith.index_cast %add3A_265 : i32 to index
      %swap3A_267 = tpu.vector_load %arg7[%swap3A_266] {strides = array<i32>} : memref<57344xf32, #tpu.memory_space<vmem>>, vector<16xf32>,
      tpu.vector_store %arg7[%swap3A_266], %broadcast_in_dim3A_146 {strides = array<i32>} : memref<57344xf32, #tpu.memory_space<vmem>>, vector<16xf32>,
      %scan3A_268 = arith.constant 0 : i32
      scf.yield %scan3A_268 : i32
    }
    %scan3A_153 = arith.constant 224 : i32
    %broadcast_in_dim3A_154 = arith.constant 1.000000e+00 : f32
    %broadcast_in_dim3A_155 = vector.broadcast %broadcast_in_dim3A_154 : f32 to vector<16xf32>
    %iota3A_156 = tpu.iota {dimensions = array<i32: 0>} : vector<16xi32>
    %scan3A_157 = arith.constant 0 : i32
    %scan3A_158 = arith.constant 0 : i32
    %scan3A_159 = arith.constant 14 : i32
    %scan3A_160 = arith.addi %scan3A_158, %scan3A_159 : i32
    %scan3A_161 = arith.constant 1 : i32
    %scan3A_162 = scf.for %scan3A_201 = %scan3A_158 to %scan3A_160 step %scan3A_161 iter_args(%scan3A_202 = %scan3A_157) -> (i32)  : i32 {
      %mul3A_203 = arith.constant 16 : i32
      %mul3A_204 = arith.muli %scan3A_201, %mul3A_203 : i32
      %mul3A_205 = arith.constant 6 : i32
      %mul3A_206 = arith.muli %mul3A_204, %mul3A_205 : i32
      %mul3A_207 = arith.constant 6 : i32
      %mul3A_208 = vector.broadcast %mul3A_207 : i32 to vector<16xi32>
      %mul3A_209 = arith.muli %iota3A_156, %mul3A_208 : vector<16xi32>
      %add3A_210 = vector.broadcast %mul3A_206 : i32 to vector<16xi32>
      %add3A_211 = arith.addi %add3A_210, %mul3A_209 : vector<16xi32>
      %add3A_212 = vector.broadcast %mul3A_204 : i32 to vector<16xi32>
      %add3A_213 = arith.addi %add3A_212, %iota3A_156 : vector<16xi32>
      %mul3A_214 = arith.constant 256 : i32
      %mul3A_215 = vector.broadcast %mul3A_214 : i32 to vector<16xi32>
      %mul3A_216 = arith.muli %add3A_213, %mul3A_215 : vector<16xi32>
      %add3A_217 = arith.constant 0 : i32
      %add3A_218 = vector.broadcast %add3A_217 : i32 to vector<16xi32>
      %add3A_219 = arith.addi %add3A_211, %add3A_218 : vector<16xi32>
      %gather3A = tpu.vector_load_idx %arg5[%add3A_219] : memref<1344xi32, #tpu.memory_space<vmem>>[vector<16xi32>], vector<16xi32>,
      %add3A_220 = arith.addi %mul3A_216, %gather3A : vector<16xi32>
      tpu.vector_store_idx %arg7[%add3A_220], %broadcast_in_dim3A_155 {add = true} : memref<57344xf32, #tpu.memory_space<vmem>>[vector<16xi32>], vector<16xf32>,
      %add3A_221 = arith.constant 1 : i32
      %add3A_222 = vector.broadcast %add3A_221 : i32 to vector<16xi32>
      %add3A_223 = arith.addi %add3A_211, %add3A_222 : vector<16xi32>
      %gather3A_224 = tpu.vector_load_idx %arg5[%add3A_223] : memref<1344xi32, #tpu.memory_space<vmem>>[vector<16xi32>], vector<16xi32>,
      %add3A_225 = arith.addi %mul3A_216, %gather3A_224 : vector<16xi32>
      tpu.vector_store_idx %arg7[%add3A_225], %broadcast_in_dim3A_155 {add = true} : memref<57344xf32, #tpu.memory_space<vmem>>[vector<16xi32>], vector<16xf32>,
      %add3A_226 = arith.constant 2 : i32
      %add3A_227 = vector.broadcast %add3A_226 : i32 to vector<16xi32>
      %add3A_228 = arith.addi %add3A_211, %add3A_227 : vector<16xi32>
      %gather3A_229 = tpu.vector_load_idx %arg5[%add3A_228] : memref<1344xi32, #tpu.memory_space<vmem>>[vector<16xi32>], vector<16xi32>,
      %add3A_230 = arith.addi %mul3A_216, %gather3A_229 : vector<16xi32>
      tpu.vector_store_idx %arg7[%add3A_230], %broadcast_in_dim3A_155 {add = true} : memref<57344xf32, #tpu.memory_space<vmem>>[vector<16xi32>], vector<16xf32>,
      %add3A_231 = arith.constant 3 : i32
      %add3A_232 = vector.broadcast %add3A_231 : i32 to vector<16xi32>
      %add3A_233 = arith.addi %add3A_211, %add3A_232 : vector<16xi32>
      %gather3A_234 = tpu.vector_load_idx %arg5[%add3A_233] : memref<1344xi32, #tpu.memory_space<vmem>>[vector<16xi32>], vector<16xi32>,
      %add3A_235 = arith.addi %mul3A_216, %gather3A_234 : vector<16xi32>
      tpu.vector_store_idx %arg7[%add3A_235], %broadcast_in_dim3A_155 {add = true} : memref<57344xf32, #tpu.memory_space<vmem>>[vector<16xi32>], vector<16xf32>,
      %add3A_236 = arith.constant 4 : i32
      %add3A_237 = vector.broadcast %add3A_236 : i32 to vector<16xi32>
      %add3A_238 = arith.addi %add3A_211, %add3A_237 : vector<16xi32>
      %gather3A_239 = tpu.vector_load_idx %arg5[%add3A_238] : memref<1344xi32, #tpu.memory_space<vmem>>[vector<16xi32>], vector<16xi32>,
      %add3A_240 = arith.addi %mul3A_216, %gather3A_239 : vector<16xi32>
      tpu.vector_store_idx %arg7[%add3A_240], %broadcast_in_dim3A_155 {add = true} : memref<57344xf32, #tpu.memory_space<vmem>>[vector<16xi32>], vector<16xf32>,
      %add3A_241 = arith.constant 5 : i32
      %add3A_242 = vector.broadcast %add3A_241 : i32 to vector<16xi32>
      %add3A_243 = arith.addi %add3A_211, %add3A_242 : vector<16xi32>
      %gather3A_244 = tpu.vector_load_idx %arg5[%add3A_243] : memref<1344xi32, #tpu.memory_space<vmem>>[vector<16xi32>], vector<16xi32>,
      %add3A_245 = arith.addi %mul3A_216, %gather3A_244 : vector<16xi32>
      tpu.vector_store_idx %arg7[%add3A_245], %broadcast_in_dim3A_155 {add = true} : memref<57344xf32, #tpu.memory_space<vmem>>[vector<16xi32>], vector<16xf32>,
      %scan3A_246 = arith.constant 0 : i32
      scf.yield %scan3A_246 : i32
    }
    %scan3A_163 = arith.constant 14 : i32
    %mul3A_164 = arith.constant 256 : i32
    %mul3A_165 = arith.muli %add3A_140, %mul3A_164 : i32
    %dma_start3A_166 = tpu.memref_slice %arg3[%mul3A_165] : memref<12845056xf32, #tpu.memory_space<hbm>> -> memref<57344xf32, #tpu.memory_space<hbm>>
    %dma_start3A_167 = tpu.memref_slice %arg3[%mul3A_165] : memref<12845056xf32, #tpu.memory_space<hbm>> -> memref<57344xf32, #tpu.memory_space<hbm>>
    tpu.enqueue_dma source(%arg7 : memref<57344xf32, #tpu.memory_space<vmem>>) target(%dma_start3A_167 : memref<57344xf32, #tpu.memory_space<hbm>>) target_semaphore(%arg9 : memref<!tpu.dma_semaphore, #tpu.memory_space<semaphore_mem>>)
    %add3A_168 = arith.constant 1344 : i32
    %add3A_169 = arith.addi %mul3A_2, %add3A_168 : i32
    %dma_wait3A_170 = tpu.memref_slice %arg3[%mul3A_136] : memref<12845056xf32, #tpu.memory_space<hbm>> -> memref<57344xf32, #tpu.memory_space<hbm>>
    %dma_wait3A_171 = tpu.memref_slice %arg3[%mul3A_136] : memref<12845056xf32, #tpu.memory_space<hbm>> -> memref<57344xf32, #tpu.memory_space<hbm>>
    tpu.wait_dma2 semaphore(%arg8 : memref<!tpu.dma_semaphore, #tpu.memory_space<semaphore_mem>>) src(%arg6 : memref<57344xf32, #tpu.memory_space<vmem>>) dst(%dma_wait3A_171 : memref<57344xf32, #tpu.memory_space<hbm>>)
    %mul3A_172 = arith.constant 6 : i32
    %mul3A_173 = arith.muli %add3A_169, %mul3A_172 : i32
    "tpu.region"() ({
      %run_scoped3A = tpu.sem_alloc : memref<!tpu.dma_semaphore, #tpu.memory_space<semaphore_mem>>
      %dma_start3A_201 = tpu.memref_slice %arg2[%mul3A_173] : memref<301056xi32, #tpu.memory_space<hbm>> -> memref<1344xi32, #tpu.memory_space<hbm>>
      %dma_start3A_202 = tpu.memref_slice %arg2[%mul3A_173] : memref<301056xi32, #tpu.memory_space<hbm>> -> memref<1344xi32, #tpu.memory_space<hbm>>
      tpu.enqueue_dma source(%dma_start3A_202 : memref<1344xi32, #tpu.memory_space<hbm>>) target(%arg4 : memref<1344xi32, #tpu.memory_space<vmem>>) target_semaphore(%run_scoped3A : memref<!tpu.dma_semaphore, #tpu.memory_space<semaphore_mem>>)
      %dma_wait3A_203 = tpu.memref_slice %arg2[%mul3A_173] : memref<301056xi32, #tpu.memory_space<hbm>> -> memref<1344xi32, #tpu.memory_space<hbm>>
      %dma_wait3A_204 = tpu.memref_slice %arg2[%mul3A_173] : memref<301056xi32, #tpu.memory_space<hbm>> -> memref<1344xi32, #tpu.memory_space<hbm>>
      tpu.wait_dma2 semaphore(%run_scoped3A : memref<!tpu.dma_semaphore, #tpu.memory_space<semaphore_mem>>) src(%dma_wait3A_204 : memref<1344xi32, #tpu.memory_space<hbm>>) dst(%arg4 : memref<1344xi32, #tpu.memory_space<vmem>>)
      tpu.yield
    }) : () -> ()
    %broadcast_in_dim3A_174 = arith.constant 0.000000e+00 : f32
    %broadcast_in_dim3A_175 = vector.broadcast %broadcast_in_dim3A_174 : f32 to vector<16xf32>
    %scan3A_176 = arith.constant 0 : i32
    %scan3A_177 = arith.constant 0 : i32
    %scan3A_178 = arith.constant 224 : i32
    %scan3A_179 = arith.addi %scan3A_177, %scan3A_178 : i32
    %scan3A_180 = arith.constant 1 : i32
    %scan3A_181 = scf.for %scan3A_201 = %scan3A_177 to %scan3A_179 step %scan3A_180 iter_args(%scan3A_202 = %scan3A_176) -> (i32)  : i32 {
      %mul3A_203 = arith.constant 256 : i32
      %mul3A_204 = arith.muli %scan3A_201, %mul3A_203 : i32
      %add3A_205 = arith.constant 0 : i32
      %add3A_206 = arith.addi %mul3A_204, %add3A_205 : i32
      %swap3A = arith.index_cast %add3A_206 : i32 to index
      %swap3A_207 = tpu.vector_load %arg6[%swap3A] {strides = array<i32>} : memref<57344xf32, #tpu.memory_space<vmem>>, vector<16xf32>,
      tpu.vector_store %arg6[%swap3A], %broadcast_in_dim3A_175 {strides = array<i32>} : memref<57344xf32, #tpu.memory_space<vmem>>, vector<16xf32>,
      %add3A_208 = arith.constant 16 : i32
      %add3A_209 = arith.addi %mul3A_204, %add3A_208 : i32
      %swap3A_210 = arith.index_cast %add3A_209 : i32 to index
      %swap3A_211 = tpu.vector_load %arg6[%swap3A_210] {strides = array<i32>} : memref<57344xf32, #tpu.memory_space<vmem>>, vector<16xf32>,
      tpu.vector_store %arg6[%swap3A_210], %broadcast_in_dim3A_175 {strides = array<i32>} : memref<57344xf32, #tpu.memory_space<vmem>>, vector<16xf32>,
      %add3A_212 = arith.constant 32 : i32
      %add3A_213 = arith.addi %mul3A_204, %add3A_212 : i32
      %swap3A_214 = arith.index_cast %add3A_213 : i32 to index
      %swap3A_215 = tpu.vector_load %arg6[%swap3A_214] {strides = array<i32>} : memref<57344xf32, #tpu.memory_space<vmem>>, vector<16xf32>,
      tpu.vector_store %arg6[%swap3A_214], %broadcast_in_dim3A_175 {strides = array<i32>} : memref<57344xf32, #tpu.memory_space<vmem>>, vector<16xf32>,
      %add3A_216 = arith.constant 48 : i32
      %add3A_217 = arith.addi %mul3A_204, %add3A_216 : i32
      %swap3A_218 = arith.index_cast %add3A_217 : i32 to index
      %swap3A_219 = tpu.vector_load %arg6[%swap3A_218] {strides = array<i32>} : memref<57344xf32, #tpu.memory_space<vmem>>, vector<16xf32>,
      tpu.vector_store %arg6[%swap3A_218], %broadcast_in_dim3A_175 {strides = array<i32>} : memref<57344xf32, #tpu.memory_space<vmem>>, vector<16xf32>,
      %add3A_220 = arith.constant 64 : i32
      %add3A_221 = arith.addi %mul3A_204, %add3A_220 : i32
      %swap3A_222 = arith.index_cast %add3A_221 : i32 to index
      %swap3A_223 = tpu.vector_load %arg6[%swap3A_222] {strides = array<i32>} : memref<57344xf32, #tpu.memory_space<vmem>>, vector<16xf32>,
      tpu.vector_store %arg6[%swap3A_222], %broadcast_in_dim3A_175 {strides = array<i32>} : memref<57344xf32, #tpu.memory_space<vmem>>, vector<16xf32>,
      %add3A_224 = arith.constant 80 : i32
      %add3A_225 = arith.addi %mul3A_204, %add3A_224 : i32
      %swap3A_226 = arith.index_cast %add3A_225 : i32 to index
      %swap3A_227 = tpu.vector_load %arg6[%swap3A_226] {strides = array<i32>} : memref<57344xf32, #tpu.memory_space<vmem>>, vector<16xf32>,
      tpu.vector_store %arg6[%swap3A_226], %broadcast_in_dim3A_175 {strides = array<i32>} : memref<57344xf32, #tpu.memory_space<vmem>>, vector<16xf32>,
      %add3A_228 = arith.constant 96 : i32
      %add3A_229 = arith.addi %mul3A_204, %add3A_228 : i32
      %swap3A_230 = arith.index_cast %add3A_229 : i32 to index
      %swap3A_231 = tpu.vector_load %arg6[%swap3A_230] {strides = array<i32>} : memref<57344xf32, #tpu.memory_space<vmem>>, vector<16xf32>,
      tpu.vector_store %arg6[%swap3A_230], %broadcast_in_dim3A_175 {strides = array<i32>} : memref<57344xf32, #tpu.memory_space<vmem>>, vector<16xf32>,
      %add3A_232 = arith.constant 112 : i32
      %add3A_233 = arith.addi %mul3A_204, %add3A_232 : i32
      %swap3A_234 = arith.index_cast %add3A_233 : i32 to index
      %swap3A_235 = tpu.vector_load %arg6[%swap3A_234] {strides = array<i32>} : memref<57344xf32, #tpu.memory_space<vmem>>, vector<16xf32>,
      tpu.vector_store %arg6[%swap3A_234], %broadcast_in_dim3A_175 {strides = array<i32>} : memref<57344xf32, #tpu.memory_space<vmem>>, vector<16xf32>,
      %add3A_236 = arith.constant 128 : i32
      %add3A_237 = arith.addi %mul3A_204, %add3A_236 : i32
      %swap3A_238 = arith.index_cast %add3A_237 : i32 to index
      %swap3A_239 = tpu.vector_load %arg6[%swap3A_238] {strides = array<i32>} : memref<57344xf32, #tpu.memory_space<vmem>>, vector<16xf32>,
      tpu.vector_store %arg6[%swap3A_238], %broadcast_in_dim3A_175 {strides = array<i32>} : memref<57344xf32, #tpu.memory_space<vmem>>, vector<16xf32>,
      %add3A_240 = arith.constant 144 : i32
      %add3A_241 = arith.addi %mul3A_204, %add3A_240 : i32
      %swap3A_242 = arith.index_cast %add3A_241 : i32 to index
      %swap3A_243 = tpu.vector_load %arg6[%swap3A_242] {strides = array<i32>} : memref<57344xf32, #tpu.memory_space<vmem>>, vector<16xf32>,
      tpu.vector_store %arg6[%swap3A_242], %broadcast_in_dim3A_175 {strides = array<i32>} : memref<57344xf32, #tpu.memory_space<vmem>>, vector<16xf32>,
      %add3A_244 = arith.constant 160 : i32
      %add3A_245 = arith.addi %mul3A_204, %add3A_244 : i32
      %swap3A_246 = arith.index_cast %add3A_245 : i32 to index
      %swap3A_247 = tpu.vector_load %arg6[%swap3A_246] {strides = array<i32>} : memref<57344xf32, #tpu.memory_space<vmem>>, vector<16xf32>,
      tpu.vector_store %arg6[%swap3A_246], %broadcast_in_dim3A_175 {strides = array<i32>} : memref<57344xf32, #tpu.memory_space<vmem>>, vector<16xf32>,
      %add3A_248 = arith.constant 176 : i32
      %add3A_249 = arith.addi %mul3A_204, %add3A_248 : i32
      %swap3A_250 = arith.index_cast %add3A_249 : i32 to index
      %swap3A_251 = tpu.vector_load %arg6[%swap3A_250] {strides = array<i32>} : memref<57344xf32, #tpu.memory_space<vmem>>, vector<16xf32>,
      tpu.vector_store %arg6[%swap3A_250], %broadcast_in_dim3A_175 {strides = array<i32>} : memref<57344xf32, #tpu.memory_space<vmem>>, vector<16xf32>,
      %add3A_252 = arith.constant 192 : i32
      %add3A_253 = arith.addi %mul3A_204, %add3A_252 : i32
      %swap3A_254 = arith.index_cast %add3A_253 : i32 to index
      %swap3A_255 = tpu.vector_load %arg6[%swap3A_254] {strides = array<i32>} : memref<57344xf32, #tpu.memory_space<vmem>>, vector<16xf32>,
      tpu.vector_store %arg6[%swap3A_254], %broadcast_in_dim3A_175 {strides = array<i32>} : memref<57344xf32, #tpu.memory_space<vmem>>, vector<16xf32>,
      %add3A_256 = arith.constant 208 : i32
      %add3A_257 = arith.addi %mul3A_204, %add3A_256 : i32
      %swap3A_258 = arith.index_cast %add3A_257 : i32 to index
      %swap3A_259 = tpu.vector_load %arg6[%swap3A_258] {strides = array<i32>} : memref<57344xf32, #tpu.memory_space<vmem>>, vector<16xf32>,
      tpu.vector_store %arg6[%swap3A_258], %broadcast_in_dim3A_175 {strides = array<i32>} : memref<57344xf32, #tpu.memory_space<vmem>>, vector<16xf32>,
      %add3A_260 = arith.constant 224 : i32
      %add3A_261 = arith.addi %mul3A_204, %add3A_260 : i32
      %swap3A_262 = arith.index_cast %add3A_261 : i32 to index
      %swap3A_263 = tpu.vector_load %arg6[%swap3A_262] {strides = array<i32>} : memref<57344xf32, #tpu.memory_space<vmem>>, vector<16xf32>,
      tpu.vector_store %arg6[%swap3A_262], %broadcast_in_dim3A_175 {strides = array<i32>} : memref<57344xf32, #tpu.memory_space<vmem>>, vector<16xf32>,
      %add3A_264 = arith.constant 240 : i32
      %add3A_265 = arith.addi %mul3A_204, %add3A_264 : i32
      %swap3A_266 = arith.index_cast %add3A_265 : i32 to index
      %swap3A_267 = tpu.vector_load %arg6[%swap3A_266] {strides = array<i32>} : memref<57344xf32, #tpu.memory_space<vmem>>, vector<16xf32>,
      tpu.vector_store %arg6[%swap3A_266], %broadcast_in_dim3A_175 {strides = array<i32>} : memref<57344xf32, #tpu.memory_space<vmem>>, vector<16xf32>,
      %scan3A_268 = arith.constant 0 : i32
      scf.yield %scan3A_268 : i32
    }
    %scan3A_182 = arith.constant 224 : i32
    %broadcast_in_dim3A_183 = arith.constant 1.000000e+00 : f32
    %broadcast_in_dim3A_184 = vector.broadcast %broadcast_in_dim3A_183 : f32 to vector<16xf32>
    %iota3A_185 = tpu.iota {dimensions = array<i32: 0>} : vector<16xi32>
    %scan3A_186 = arith.constant 0 : i32
    %scan3A_187 = arith.constant 0 : i32
    %scan3A_188 = arith.constant 14 : i32
    %scan3A_189 = arith.addi %scan3A_187, %scan3A_188 : i32
    %scan3A_190 = arith.constant 1 : i32
    %scan3A_191 = scf.for %scan3A_201 = %scan3A_187 to %scan3A_189 step %scan3A_190 iter_args(%scan3A_202 = %scan3A_186) -> (i32)  : i32 {
      %mul3A_203 = arith.constant 16 : i32
      %mul3A_204 = arith.muli %scan3A_201, %mul3A_203 : i32
      %mul3A_205 = arith.constant 6 : i32
      %mul3A_206 = arith.muli %mul3A_204, %mul3A_205 : i32
      %mul3A_207 = arith.constant 6 : i32
      %mul3A_208 = vector.broadcast %mul3A_207 : i32 to vector<16xi32>
      %mul3A_209 = arith.muli %iota3A_185, %mul3A_208 : vector<16xi32>
      %add3A_210 = vector.broadcast %mul3A_206 : i32 to vector<16xi32>
      %add3A_211 = arith.addi %add3A_210, %mul3A_209 : vector<16xi32>
      %add3A_212 = vector.broadcast %mul3A_204 : i32 to vector<16xi32>
      %add3A_213 = arith.addi %add3A_212, %iota3A_185 : vector<16xi32>
      %mul3A_214 = arith.constant 256 : i32
      %mul3A_215 = vector.broadcast %mul3A_214 : i32 to vector<16xi32>
      %mul3A_216 = arith.muli %add3A_213, %mul3A_215 : vector<16xi32>
      %add3A_217 = arith.constant 0 : i32
      %add3A_218 = vector.broadcast %add3A_217 : i32 to vector<16xi32>
      %add3A_219 = arith.addi %add3A_211, %add3A_218 : vector<16xi32>
      %gather3A = tpu.vector_load_idx %arg4[%add3A_219] : memref<1344xi32, #tpu.memory_space<vmem>>[vector<16xi32>], vector<16xi32>,
      %add3A_220 = arith.addi %mul3A_216, %gather3A : vector<16xi32>
      tpu.vector_store_idx %arg6[%add3A_220], %broadcast_in_dim3A_184 {add = true} : memref<57344xf32, #tpu.memory_space<vmem>>[vector<16xi32>], vector<16xf32>,
      %add3A_221 = arith.constant 1 : i32
      %add3A_222 = vector.broadcast %add3A_221 : i32 to vector<16xi32>
      %add3A_223 = arith.addi %add3A_211, %add3A_222 : vector<16xi32>
      %gather3A_224 = tpu.vector_load_idx %arg4[%add3A_223] : memref<1344xi32, #tpu.memory_space<vmem>>[vector<16xi32>], vector<16xi32>,
      %add3A_225 = arith.addi %mul3A_216, %gather3A_224 : vector<16xi32>
      tpu.vector_store_idx %arg6[%add3A_225], %broadcast_in_dim3A_184 {add = true} : memref<57344xf32, #tpu.memory_space<vmem>>[vector<16xi32>], vector<16xf32>,
      %add3A_226 = arith.constant 2 : i32
      %add3A_227 = vector.broadcast %add3A_226 : i32 to vector<16xi32>
      %add3A_228 = arith.addi %add3A_211, %add3A_227 : vector<16xi32>
      %gather3A_229 = tpu.vector_load_idx %arg4[%add3A_228] : memref<1344xi32, #tpu.memory_space<vmem>>[vector<16xi32>], vector<16xi32>,
      %add3A_230 = arith.addi %mul3A_216, %gather3A_229 : vector<16xi32>
      tpu.vector_store_idx %arg6[%add3A_230], %broadcast_in_dim3A_184 {add = true} : memref<57344xf32, #tpu.memory_space<vmem>>[vector<16xi32>], vector<16xf32>,
      %add3A_231 = arith.constant 3 : i32
      %add3A_232 = vector.broadcast %add3A_231 : i32 to vector<16xi32>
      %add3A_233 = arith.addi %add3A_211, %add3A_232 : vector<16xi32>
      %gather3A_234 = tpu.vector_load_idx %arg4[%add3A_233] : memref<1344xi32, #tpu.memory_space<vmem>>[vector<16xi32>], vector<16xi32>,
      %add3A_235 = arith.addi %mul3A_216, %gather3A_234 : vector<16xi32>
      tpu.vector_store_idx %arg6[%add3A_235], %broadcast_in_dim3A_184 {add = true} : memref<57344xf32, #tpu.memory_space<vmem>>[vector<16xi32>], vector<16xf32>,
      %add3A_236 = arith.constant 4 : i32
      %add3A_237 = vector.broadcast %add3A_236 : i32 to vector<16xi32>
      %add3A_238 = arith.addi %add3A_211, %add3A_237 : vector<16xi32>
      %gather3A_239 = tpu.vector_load_idx %arg4[%add3A_238] : memref<1344xi32, #tpu.memory_space<vmem>>[vector<16xi32>], vector<16xi32>,
      %add3A_240 = arith.addi %mul3A_216, %gather3A_239 : vector<16xi32>
      tpu.vector_store_idx %arg6[%add3A_240], %broadcast_in_dim3A_184 {add = true} : memref<57344xf32, #tpu.memory_space<vmem>>[vector<16xi32>], vector<16xf32>,
      %add3A_241 = arith.constant 5 : i32
      %add3A_242 = vector.broadcast %add3A_241 : i32 to vector<16xi32>
      %add3A_243 = arith.addi %add3A_211, %add3A_242 : vector<16xi32>
      %gather3A_244 = tpu.vector_load_idx %arg4[%add3A_243] : memref<1344xi32, #tpu.memory_space<vmem>>[vector<16xi32>], vector<16xi32>,
      %add3A_245 = arith.addi %mul3A_216, %gather3A_244 : vector<16xi32>
      tpu.vector_store_idx %arg6[%add3A_245], %broadcast_in_dim3A_184 {add = true} : memref<57344xf32, #tpu.memory_space<vmem>>[vector<16xi32>], vector<16xf32>,
      %scan3A_246 = arith.constant 0 : i32
      scf.yield %scan3A_246 : i32
    }
    %scan3A_192 = arith.constant 14 : i32
    %mul3A_193 = arith.constant 256 : i32
    %mul3A_194 = arith.muli %add3A_169, %mul3A_193 : i32
    %dma_start3A_195 = tpu.memref_slice %arg3[%mul3A_194] : memref<12845056xf32, #tpu.memory_space<hbm>> -> memref<57344xf32, #tpu.memory_space<hbm>>
    %dma_start3A_196 = tpu.memref_slice %arg3[%mul3A_194] : memref<12845056xf32, #tpu.memory_space<hbm>> -> memref<57344xf32, #tpu.memory_space<hbm>>
    tpu.enqueue_dma source(%arg6 : memref<57344xf32, #tpu.memory_space<vmem>>) target(%dma_start3A_196 : memref<57344xf32, #tpu.memory_space<hbm>>) target_semaphore(%arg8 : memref<!tpu.dma_semaphore, #tpu.memory_space<semaphore_mem>>)
    %dma_wait3A_197 = tpu.memref_slice %arg3[%mul3A_165] : memref<12845056xf32, #tpu.memory_space<hbm>> -> memref<57344xf32, #tpu.memory_space<hbm>>
    %dma_wait3A_198 = tpu.memref_slice %arg3[%mul3A_165] : memref<12845056xf32, #tpu.memory_space<hbm>> -> memref<57344xf32, #tpu.memory_space<hbm>>
    tpu.wait_dma2 semaphore(%arg9 : memref<!tpu.dma_semaphore, #tpu.memory_space<semaphore_mem>>) src(%arg7 : memref<57344xf32, #tpu.memory_space<vmem>>) dst(%dma_wait3A_198 : memref<57344xf32, #tpu.memory_space<hbm>>)
    %dma_wait3A_199 = tpu.memref_slice %arg3[%mul3A_194] : memref<12845056xf32, #tpu.memory_space<hbm>> -> memref<57344xf32, #tpu.memory_space<hbm>>
    %dma_wait3A_200 = tpu.memref_slice %arg3[%mul3A_194] : memref<12845056xf32, #tpu.memory_space<hbm>> -> memref<57344xf32, #tpu.memory_space<hbm>>
    tpu.wait_dma2 semaphore(%arg8 : memref<!tpu.dma_semaphore, #tpu.memory_space<semaphore_mem>>) src(%arg6 : memref<57344xf32, #tpu.memory_space<vmem>>) dst(%dma_wait3A_200 : memref<57344xf32, #tpu.memory_space<hbm>>)
    return
  }
}

module attributes {stable_mosaic.version = 14 : i64} {
  func.func @_project_tables_kernel(%arg0: memref<256x256xf32, #tpu.memory_space<vmem>>, %arg1: memref<256x512xf32, #tpu.memory_space<vmem>>, %arg2: memref<256x512xf32, #tpu.memory_space<vmem>>, %arg3: memref<256x256xbf16, #tpu.memory_space<vmem>>, %arg4: memref<256x256xbf16, #tpu.memory_space<vmem>>, %arg5: memref<256x256xbf16, #tpu.memory_space<vmem>>, %arg6: memref<256x256xbf16, #tpu.memory_space<vmem>>) attributes {dimension_semantics = [], scalar_prefetch = 0 : i64, scratch_operands = 0 : i64, tpu.core_type = #tpu.core_type<tc>} {
    %get3A = arith.constant 0 : index
    %get3A_0 = arith.constant 0 : index
    %get3A_1 = vector.load %arg0[%get3A, %get3A_0] : memref<256x256xf32, #tpu.memory_space<vmem>>, vector<256x256xf32>
    %get3A_2 = arith.constant 0 : index
    %get3A_3 = arith.constant 256 : index
    %get3A_4 = vector.load %arg1[%get3A_2, %get3A_3] : memref<256x512xf32, #tpu.memory_space<vmem>>, vector<256x256xf32>
    %dot_general3A = arith.constant dense<0.000000e+00> : vector<256x256xf32>
    %dot_general3A_5 = tpu.matmul %get3A_1, %get3A_4, %dot_general3A {dimension_numbers = #tpu.dot_dimension_numbers<[1], [1], [0], [0], [0, 0, 1, 0], [], []>, precision = #tpu.contract_precision<fp32>, transpose_lhs_hint = false} : vector<256x256xf32>, vector<256x256xf32>, vector<256x256xf32> -> vector<256x256xf32>
    %mul3A = arith.constant 0.166666672 : f32
    %mul3A_6 = vector.broadcast %mul3A : f32 to vector<256x256xf32>
    %mul3A_7 = arith.mulf %dot_general3A_5, %mul3A_6 : vector<256x256xf32>
    %convert_element_type3A = arith.truncf %mul3A_7 : vector<256x256xf32> to vector<256x256xbf16>
    %swap3A = arith.constant 0 : index
    %swap3A_8 = arith.constant 0 : index
    %swap3A_9 = vector.load %arg3[%swap3A, %swap3A_8] : memref<256x256xbf16, #tpu.memory_space<vmem>>, vector<256x256xbf16>
    tpu.vector_store %arg3[%swap3A, %swap3A_8], %convert_element_type3A {strides = array<i32>} : memref<256x256xbf16, #tpu.memory_space<vmem>>, vector<256x256xbf16>,
    %get3A_10 = arith.constant 0 : index
    %get3A_11 = arith.constant 0 : index
    %get3A_12 = vector.load %arg1[%get3A_10, %get3A_11] : memref<256x512xf32, #tpu.memory_space<vmem>>, vector<256x256xf32>
    %convert_element_type3A_13 = arith.truncf %get3A_12 : vector<256x256xf32> to vector<256x256xbf16>
    %swap3A_14 = arith.constant 0 : index
    %swap3A_15 = arith.constant 0 : index
    %swap3A_16 = vector.load %arg5[%swap3A_14, %swap3A_15] : memref<256x256xbf16, #tpu.memory_space<vmem>>, vector<256x256xbf16>
    tpu.vector_store %arg5[%swap3A_14, %swap3A_15], %convert_element_type3A_13 {strides = array<i32>} : memref<256x256xbf16, #tpu.memory_space<vmem>>, vector<256x256xbf16>,
    %get3A_17 = arith.constant 0 : index
    %get3A_18 = arith.constant 256 : index
    %get3A_19 = vector.load %arg2[%get3A_17, %get3A_18] : memref<256x512xf32, #tpu.memory_space<vmem>>, vector<256x256xf32>
    %dot_general3A_20 = arith.constant dense<0.000000e+00> : vector<256x256xf32>
    %dot_general3A_21 = tpu.matmul %get3A_1, %get3A_19, %dot_general3A_20 {dimension_numbers = #tpu.dot_dimension_numbers<[1], [1], [0], [0], [0, 0, 1, 0], [], []>, precision = #tpu.contract_precision<fp32>, transpose_lhs_hint = false} : vector<256x256xf32>, vector<256x256xf32>, vector<256x256xf32> -> vector<256x256xf32>
    %mul3A_22 = arith.constant 0.166666672 : f32
    %mul3A_23 = vector.broadcast %mul3A_22 : f32 to vector<256x256xf32>
    %mul3A_24 = arith.mulf %dot_general3A_21, %mul3A_23 : vector<256x256xf32>
    %convert_element_type3A_25 = arith.truncf %mul3A_24 : vector<256x256xf32> to vector<256x256xbf16>
    %swap3A_26 = arith.constant 0 : index
    %swap3A_27 = arith.constant 0 : index
    %swap3A_28 = vector.load %arg4[%swap3A_26, %swap3A_27] : memref<256x256xbf16, #tpu.memory_space<vmem>>, vector<256x256xbf16>
    tpu.vector_store %arg4[%swap3A_26, %swap3A_27], %convert_element_type3A_25 {strides = array<i32>} : memref<256x256xbf16, #tpu.memory_space<vmem>>, vector<256x256xbf16>,
    %get3A_29 = arith.constant 0 : index
    %get3A_30 = arith.constant 0 : index
    %get3A_31 = vector.load %arg2[%get3A_29, %get3A_30] : memref<256x512xf32, #tpu.memory_space<vmem>>, vector<256x256xf32>
    %convert_element_type3A_32 = arith.truncf %get3A_31 : vector<256x256xf32> to vector<256x256xbf16>
    %swap3A_33 = arith.constant 0 : index
    %swap3A_34 = arith.constant 0 : index
    %swap3A_35 = vector.load %arg6[%swap3A_33, %swap3A_34] : memref<256x256xbf16, #tpu.memory_space<vmem>>, vector<256x256xbf16>
    tpu.vector_store %arg6[%swap3A_33, %swap3A_34], %convert_element_type3A_32 {strides = array<i32>} : memref<256x256xbf16, #tpu.memory_space<vmem>>, vector<256x256xbf16>,
    return
  }
}

module attributes {stable_mosaic.version = 14 : i64} {
  func.func @_sage_mm_kernel(%arg0: i32, %arg1: memref<2000x256xf32, #tpu.memory_space<vmem>>, %arg2: memref<2000x256xf32, #tpu.memory_space<vmem>>, %arg3: memref<256x256xbf16, #tpu.memory_space<vmem>>, %arg4: memref<256x256xbf16, #tpu.memory_space<vmem>>, %arg5: memref<256x256xbf16, #tpu.memory_space<vmem>>, %arg6: memref<256x256xbf16, #tpu.memory_space<vmem>>, %arg7: memref<2000x256xf32, #tpu.memory_space<vmem>>) attributes {dimension_semantics = [#tpu.dimension_semantics<arbitrary>], iteration_bounds = array<i64: 25>, scalar_prefetch = 0 : i64, scratch_operands = 0 : i64, tpu.core_type = #tpu.core_type<tc>, window_params = [{transform_indices = @transform_0, window_bounds = array<i64: 2000, 256>}, {transform_indices = @transform_1, window_bounds = array<i64: 2000, 256>}, {pipeline_mode = #tpu.pipeline_mode<synchronous>, transform_indices = @transform_2, window_bounds = array<i64: 256, 256>}, {pipeline_mode = #tpu.pipeline_mode<synchronous>, transform_indices = @transform_3, window_bounds = array<i64: 256, 256>}, {pipeline_mode = #tpu.pipeline_mode<synchronous>, transform_indices = @transform_4, window_bounds = array<i64: 256, 256>}, {pipeline_mode = #tpu.pipeline_mode<synchronous>, transform_indices = @transform_5, window_bounds = array<i64: 256, 256>}, {transform_indices = @transform_6, window_bounds = array<i64: 2000, 256>}]} {
    %get3A = arith.constant 0 : index
    %get3A_0 = arith.constant 0 : index
    %get3A_1 = vector.load %arg2[%get3A, %get3A_0] : memref<2000x256xf32, #tpu.memory_space<vmem>>, vector<2000x256xf32>
    %convert_element_type3A = arith.truncf %get3A_1 : vector<2000x256xf32> to vector<2000x256xbf16>
    %get3A_2 = arith.constant 0 : index
    %get3A_3 = arith.constant 0 : index
    %get3A_4 = vector.load %arg1[%get3A_2, %get3A_3] : memref<2000x256xf32, #tpu.memory_space<vmem>>, vector<2000x256xf32>
    %convert_element_type3A_5 = arith.truncf %get3A_4 : vector<2000x256xf32> to vector<2000x256xbf16>
    %get3A_6 = arith.constant 0 : index
    %get3A_7 = arith.constant 0 : index
    %get3A_8 = vector.load %arg3[%get3A_6, %get3A_7] : memref<256x256xbf16, #tpu.memory_space<vmem>>, vector<256x256xbf16>
    %dot_general3A = arith.constant dense<0.000000e+00> : vector<2000x256xf32>
    %dot_general3A_9 = tpu.matmul %convert_element_type3A_5, %get3A_8, %dot_general3A {dimension_numbers = #tpu.dot_dimension_numbers<[1], [1], [0], [0], [0, 0, 1, 0], [], []>, transpose_lhs_hint = false} : vector<2000x256xbf16>, vector<256x256xbf16>, vector<2000x256xf32> -> vector<2000x256xf32>
    %get3A_10 = arith.constant 0 : index
    %get3A_11 = arith.constant 0 : index
    %get3A_12 = vector.load %arg5[%get3A_10, %get3A_11] : memref<256x256xbf16, #tpu.memory_space<vmem>>, vector<256x256xbf16>
    %dot_general3A_13 = arith.constant dense<0.000000e+00> : vector<2000x256xf32>
    %dot_general3A_14 = tpu.matmul %convert_element_type3A, %get3A_12, %dot_general3A_13 {dimension_numbers = #tpu.dot_dimension_numbers<[1], [0], [0], [1], [0, 0, 1, 1], [], []>, transpose_lhs_hint = false} : vector<2000x256xbf16>, vector<256x256xbf16>, vector<2000x256xf32> -> vector<2000x256xf32>
    %add3A = arith.addf %dot_general3A_9, %dot_general3A_14 : vector<2000x256xf32>
    %max3A = arith.constant 0.000000e+00 : f32
    %max3A_15 = vector.broadcast %max3A : f32 to vector<2000x256xf32>
    %max3A_16 = arith.maximumf %add3A, %max3A_15 : vector<2000x256xf32>
    %convert_element_type3A_17 = arith.truncf %max3A_16 : vector<2000x256xf32> to vector<2000x256xbf16>
    %get3A_18 = arith.constant 0 : index
    %get3A_19 = arith.constant 0 : index
    %get3A_20 = vector.load %arg4[%get3A_18, %get3A_19] : memref<256x256xbf16, #tpu.memory_space<vmem>>, vector<256x256xbf16>
    %dot_general3A_21 = arith.constant dense<0.000000e+00> : vector<2000x256xf32>
    %dot_general3A_22 = tpu.matmul %convert_element_type3A_17, %get3A_20, %dot_general3A_21 {dimension_numbers = #tpu.dot_dimension_numbers<[1], [1], [0], [0], [0, 0, 1, 0], [], []>, transpose_lhs_hint = false} : vector<2000x256xbf16>, vector<256x256xbf16>, vector<2000x256xf32> -> vector<2000x256xf32>
    %get3A_23 = arith.constant 0 : index
    %get3A_24 = arith.constant 0 : index
    %get3A_25 = vector.load %arg6[%get3A_23, %get3A_24] : memref<256x256xbf16, #tpu.memory_space<vmem>>, vector<256x256xbf16>
    %dot_general3A_26 = arith.constant dense<0.000000e+00> : vector<2000x256xf32>
    %dot_general3A_27 = tpu.matmul %convert_element_type3A, %get3A_25, %dot_general3A_26 {dimension_numbers = #tpu.dot_dimension_numbers<[1], [0], [0], [1], [0, 0, 1, 1], [], []>, transpose_lhs_hint = false} : vector<2000x256xbf16>, vector<256x256xbf16>, vector<2000x256xf32> -> vector<2000x256xf32>
    %add3A_28 = arith.addf %dot_general3A_22, %dot_general3A_27 : vector<2000x256xf32>
    %max3A_29 = arith.constant 0.000000e+00 : f32
    %max3A_30 = vector.broadcast %max3A_29 : f32 to vector<2000x256xf32>
    %max3A_31 = arith.maximumf %add3A_28, %max3A_30 : vector<2000x256xf32>
    %swap3A = arith.constant 0 : index
    %swap3A_32 = arith.constant 0 : index
    %swap3A_33 = vector.load %arg7[%swap3A, %swap3A_32] : memref<2000x256xf32, #tpu.memory_space<vmem>>, vector<2000x256xf32>
    tpu.vector_store %arg7[%swap3A, %swap3A_32], %max3A_31 {strides = array<i32>} : memref<2000x256xf32, #tpu.memory_space<vmem>>, vector<2000x256xf32>,
    return
  }
  func.func @transform_0(%arg0: i32) -> (i32, i32) {
    %c0_i32 = arith.constant 0 : i32
    %c0_i32_0 = arith.constant 0 : i32
    return %arg0, %c0_i32 : i32, i32
  }
  func.func @transform_1(%arg0: i32) -> (i32, i32) {
    %c0_i32 = arith.constant 0 : i32
    %c0_i32_0 = arith.constant 0 : i32
    return %arg0, %c0_i32 : i32, i32
  }
  func.func @transform_2(%arg0: i32) -> (i32, i32) {
    %c0_i32 = arith.constant 0 : i32
    %c0_i32_0 = arith.constant 0 : i32
    %c0_i32_1 = arith.constant 0 : i32
    return %c0_i32, %c0_i32_0 : i32, i32
  }
  func.func @transform_3(%arg0: i32) -> (i32, i32) {
    %c0_i32 = arith.constant 0 : i32
    %c0_i32_0 = arith.constant 0 : i32
    %c0_i32_1 = arith.constant 0 : i32
    return %c0_i32, %c0_i32_0 : i32, i32
  }
  func.func @transform_4(%arg0: i32) -> (i32, i32) {
    %c0_i32 = arith.constant 0 : i32
    %c0_i32_0 = arith.constant 0 : i32
    %c0_i32_1 = arith.constant 0 : i32
    return %c0_i32, %c0_i32_0 : i32, i32
  }
  func.func @transform_5(%arg0: i32) -> (i32, i32) {
    %c0_i32 = arith.constant 0 : i32
    %c0_i32_0 = arith.constant 0 : i32
    %c0_i32_1 = arith.constant 0 : i32
    return %c0_i32, %c0_i32_0 : i32, i32
  }
  func.func @transform_6(%arg0: i32) -> (i32, i32) {
    %c0_i32 = arith.constant 0 : i32
    %c0_i32_0 = arith.constant 0 : i32
    return %arg0, %c0_i32 : i32, i32
  }
}

</mosaic_0001>

<sc_bundles>
// kernel: kernel.5.cloned.1.call-start
scs
__scs_entry_jumppad:
0x0: {  	(pc) =	sbr.rel $0x88, $3  }
0x1: {  	(tag) =	ssettag $0x0;
	lr =	simm.s32 $0x1  }
0x2: {  	[smem:$0x3F9C] =	sst lr;
	_ =	strace $0xD0000000  }
0x3: {  	_ = 	snop  }
0x4: {  	_ = 	snop  }
0x5: {  	_ = 	snop  }
0x6: {  	_ = 	snop  }
0x7: {  	_ = 	snop  }
__scs_overlays_trampoline_lowered:
0x8: {  	[smem:$0x3FAB] =	sst s0  }
0x9: {  	[smem:$0x3FAC] =	sst s1  }
0xa: {  	[smem:$0x3FAD] =	sst s2  }
0xb: {  	[smem:$0x3FAE] =	sst s3  }
0xc: {  	[smem:$0x3FAF] =	sst s4  }
0xd: {  	[smem:$0x3FB0] =	sst s5  }
0xe: {  	[smem:$0x3FB1] =	sst s6  }
0xf: {  	[smem:$0x3FB2] =	sst s7  }
0x10: {  	[smem:$0x3FB3] =	sst s8  }
0x11: {  	[smem:$0x3FB4] =	sst s9;
	s0 =	simm.s32 @!p0 $0x0  }
0x12: {  	s1 =	sld [smem:$0x3F9A];
	s0 =	simm.s32 @p0 $0x1  }
0x13: {  	[smem:$0x3FB5] =	sst s0;
	s0 =	simm.s32 @!p1 $0x0  }
0x14: {  	s2 =	sld [smem:$0x3F99];
	s0 =	simm.s32 @p1 $0x1  }
0x15: {  	[smem:$0x3FB6] =	sst s0;
	s0 =	simm.s32 @!p2 $0x0  }
0x16: {  	s3 =	sld [smem:$0x3FDB];
	s0 =	simm.s32 @p2 $0x1  }
0x17: {  	s4 =	simm.s32 $0x1BF5;
	[smem:$0x3FB8] =	sst s0  }
0x18: {  	s0 =	sld [smem:$0x3F9B];
	_ =	swait.ge [sflag:s4], $0x0  }
0x19: {  	s7 =	sld [smem:$0x3F9C]  }
0x1a: {  	s8 =	sadd.s32 $0xFFFFE003, lr  }
0x1b: {  	s9 =	sadd.s32 $0xFFFFFEF7, lr;
	s5 =	simm.s32 $0xFFFFFFFF;
	p2 =	slt.u32 s8, $0xFFFFF086  }
0x1c: {  	p1 =	slt.u32 s9, $0xF7A;
	s5 =	simm.s32 @!p2 $0x0  }
0x1d: {  	s5 =	simm.s32 @p1 $0x1;
	p0 =	seq.s32 s7, s2  }
0x1e: {  	s7 =	smul.u32 @!p0 $0xF7A, s2;
	p2 =	seq.s32 @!p0 s5, $0x0  }
0x1f: {  	s9 =	smul.u32 $0xF7A, s1;
	s8 =	simm.s32 @!p0 $0x1BF5;
	p2 =	por !p2, p0  }
0x20: {  	[sflag:s8] =	ssyncset.s32 @!p0 $0xFFFFF086;
	s6 =	sadd.s32 @!p0 s3, s7;
	s7 =	simm.s32 @!p0 $0x108  }
0x21: {  	s3 =	sadd.s32 s3, s9;
	s6 =	sadd.s32 @!p0 $0x88, s6;
	s7 =	simm.s32 @p2 $0x1082  }
0x22: {  	[simem:s7], [sflag:s8] =	dma.local @!p0 [hbm:s6], $0xF7A  }
0x23: {  	s9 =	sor.u32 $0xD0000000, s2;
	s6 =	simm.s32 $0x108;
	_ =	swait.ge @!p0 [sflag:s8], $0x0  }
0x24: {  	s3 =	sadd.s32 $0x88, s3;
	s6 =	simm.s32 @!p1 $0x1082;
	[sflag:s4] =	ssyncset.s32 $0xFFFFF086  }
0x25: {  	[simem:s6], [sflag:s4] =	dma.local [hbm:s3], $0xF7A  }
0x26: {  	[smem:$0x3F9C] =	sst s1;
	(tag) =	ssettag s2;
	_ =	strace s9  }
0x27: {  	s1 =	sld [smem:$0x3FAC]  }
0x28: {  	s2 =	sld [smem:$0x3FAD]  }
0x29: {  	s4 =	sld [smem:$0x3FAF]  }
0x2a: {  	p0 =	seq.s32 s5, $0x0;
	s5 =	sld [smem:$0x3FB0]  }
0x2b: {  	s6 =	sld [smem:$0x3FB1]  }
0x2c: {  	s7 =	sld [smem:$0x3FB2]  }
0x2d: {  	s3 =	simm.s32 $0x108;
	s8 =	sld [smem:$0x3FB3]  }
0x2e: {  	s3 =	simm.s32 @!p0 $0x1082;
	s9 =	sld [smem:$0x3FB4]  }
0x2f: {  	lr =	sadd.s32 s0, s3;
	s0 =	sld [smem:$0x3FAB]  }
0x30: {  	s3 =	sld [smem:$0x3FAE]  }
0x31: {  	[smem:$0x3FB7] =	sst s10  }
0x32: {  	s10 =	sld [smem:$0x3FB5];
	_ =	sdelay $0x3  }
0x33: {  	p0 =	seq.s32 s10, $0x1;
	s10 =	sld [smem:$0x3FB7];
	_ =	sdelay $0x3  }
0x34: {  	[smem:$0x3FB7] =	sst s10  }
0x35: {  	s10 =	sld [smem:$0x3FB6];
	_ =	sdelay $0x3  }
0x36: {  	p1 =	seq.s32 s10, $0x1;
	s10 =	sld [smem:$0x3FB7];
	_ =	sdelay $0x3  }
0x37: {  	[smem:$0x3FB7] =	sst s10  }
0x38: {  	s10 =	sld [smem:$0x3FB8]  }
0x39: {  	_ = 	snop;
	(pc) =	sbr.ind lr, $3  }
0x3a: {  	_ = 	snop  }
0x3b: {  	_ = 	snop  }
0x3c: {  	p2 =	seq.s32 s10, $0x1;
	s10 =	sld [smem:$0x3FB7]  }
0x3d: {  	_ =	shalt  }
0x3e: {  	_ =	shalt  }
0x3f: {  	_ =	shalt  }
0x40: {  	_ =	shalt  }
0x41: {  	_ =	shalt  }
0x42: {  	_ =	shalt  }
0x43: {  	_ =	shalt  }
0x44: {  	_ =	shalt  }
0x45: {  	_ =	shalt  }
0x46: {  	_ =	shalt  }
0x47: {  	_ =	shalt  }
0x48: {  	_ =	shalt  }
0x49: {  	_ =	shalt  }
0x4a: {  	_ =	shalt  }
0x4b: {  	_ =	shalt  }
0x4c: {  	_ =	shalt  }
0x4d: {  	_ =	shalt  }
0x4e: {  	_ =	shalt  }
0x4f: {  	_ =	shalt  }
0x50: {  	_ =	shalt  }
0x51: {  	_ =	shalt  }
0x52: {  	_ =	shalt  }
0x53: {  	_ =	shalt  }
0x54: {  	_ =	shalt  }
0x55: {  	_ =	shalt  }
0x56: {  	_ =	shalt  }
0x57: {  	_ =	shalt  }
0x58: {  	_ =	shalt  }
0x59: {  	_ =	shalt  }
0x5a: {  	_ =	shalt  }
0x5b: {  	_ =	shalt  }
0x5c: {  	_ =	shalt  }
0x5d: {  	_ =	shalt  }
0x5e: {  	_ =	shalt  }
0x5f: {  	_ =	shalt  }
0x60: {  	_ =	shalt  }
0x61: {  	_ =	shalt  }
0x62: {  	_ =	shalt  }
0x63: {  	_ =	shalt  }
0x64: {  	_ =	shalt  }
0x65: {  	_ =	shalt  }
0x66: {  	_ =	shalt  }
0x67: {  	_ =	shalt  }
0x68: {  	_ =	shalt  }
0x69: {  	_ =	shalt  }
0x6a: {  	_ =	shalt  }
0x6b: {  	_ =	shalt  }
0x6c: {  	_ =	shalt  }
0x6d: {  	_ =	shalt  }
0x6e: {  	_ =	shalt  }
0x6f: {  	_ =	shalt  }
0x70: {  	_ =	shalt  }
0x71: {  	_ =	shalt  }
0x72: {  	_ =	shalt  }
0x73: {  	_ =	shalt  }
0x74: {  	_ =	shalt  }
0x75: {  	_ =	shalt  }
0x76: {  	_ =	shalt  }
0x77: {  	_ =	shalt  }
0x78: {  	_ =	shalt  }
0x79: {  	_ =	shalt  }
0x7a: {  	_ =	shalt  }
0x7b: {  	_ =	shalt  }
0x7c: {  	_ =	shalt  }
0x7d: {  	_ =	shalt  }
0x7e: {  	_ =	shalt  }
0x7f: {  	_ =	shalt  }
0x80: {  	_ =	shalt  }
0x81: {  	_ =	shalt  }
0x82: {  	_ =	shalt  }
0x83: {  	_ =	shalt  }
0x84: {  	_ =	shalt  }
0x85: {  	_ =	shalt  }
0x86: {  	_ =	shalt  }
0x87: {  	_ =	shalt  }
.Lfunc_end0:
.L_simem_size_0:
called_computation_lowered:
.L_overlay_start_0:
0x88: {  	s2 =	sld [smem:$0x3FD9]  }
0x89: {  	s3 =	sld [smem:$0x3FFE];
	_ =	sdelay $0x1  }
0x8a: {  	s1 =	srdreg.scid  }
0x8b: {  	s0 =	sand.u32 $0x1, s1  }
0x8c: {  	s17 =	sshll.u32 s0, $0xA;
	s2 =	sadd.s32 s3, s2  }
0x8d: {  	s2 =	sadd.s32 s2, s17  }
0x8e: {  	[smem:$0x3FC3] =	sst s2  }
0x8f: {  	_ = 	snop  }
0x90: {  	s2 =	sld [smem:$0x3FD0];
	(tm) =	ssettm $0x1  }
0x91: {  	s18 =	sld [smem:$0x3FFB];
	_ =	sdelay $0x3  }
0x92: {  	_ =	strace s18  }
0x93: {  	s3 =	sld [smem:$0x3FFC];
	_ =	sdelay $0x3  }
0x94: {  	_ =	strace s3  }
0x95: {  	s3 =	sld [smem:$0x3FFD];
	_ =	sdelay $0x3  }
0x96: {  	_ =	strace s3  }
0x97: {  	_ =	strace $0x8FFFFFFF  }
0x98: {  	s19 =	sld [smem:$0x3FDB];
	_ =	sdelay $0x1  }
0x99: {  	s4 =	simm.s32 $_scs_section_size  }
0x9a: {  	s5 =	simm.s32 $_size__tile_overlayer_lowered;
	s6 =	simm.s32 $_tile_overlayer_lowered  }
0x9b: {  	s22 =	simm.s32 $0x1BFF;
	s21 =	sshll.u32 s6, $0x1;
	s3 =	sadd.s32 s4, s19  }
0x9c: {  	s7 =	simm.s32 $0x0;
	s20 =	sshll.u32 s5, $0x1;
	s5 =	sadd.s32 s21, s3  }
0x9d: {  	[timem:s7], [sflag:s22] =	dma.local [hbm:s5], s20  }
0x9e: {  	_ =	swait.ge [sflag:s22], s20  }
0x9f: {  	s4 =	ssub.s32 $0x0, s20;
	[sflag:s22] =	ssyncset.done $0x0  }
0xa0: {  	[sflag:s22] =	ssyncadd.s32 s4;
	_ =	sdelay $0x1  }
0xa1: {  	s23 =	simm.s32 $0x1B8B  }
0xa2: {  	_ =	swait.ge [sflag:s23], $0x1  }
0xa3: {  	[sflag:s23] =	ssyncset.done $0x0  }
0xa4: {  	s25 =	simm.s32 $0x1B8E;
	s24 =	sld [smem:$0x3FFE];
	[sflag:s23] =	ssyncadd.s32 $0xFFFFFFFF  }
0xa5: {  	s26 =	simm.s32 $execute0_lowered;
	[smem:$0x3FD2] =	sst s25  }
0xa6: {  	s5 =	sshll.u32 s26, $0x1;
	_ =	strace $0x80000046;
	[dreg:$0x1] =	wrdreg $0xFFFFFFFF  }
0xa7: {  	s28 =	simm.s32 $_size_execute0_lowered;
	s3 =	sadd.s32 s3, s5;
	[dreg:$0x0] =	wrdreg $0x0  }
0xa8: {  	s5 =	sshll.u32 s28, $0x1;
	[dreg:$0x2] =	wrdreg s3  }
0xa9: {  	[dreg:$0x3] =	wrdreg s5  }
0xaa: {  	[dreg:$0x4] =	wrdreg $0xC0  }
0xab: {  	_ =	task [dreg:s7], $0x5FFFF  }
0xac: {  	[dreg:$0x1] =	wrdreg $0xFFFFFFFF  }
0xad: {  	[dreg:$0x0] =	wrdreg $0x60  }
0xae: {  	[dreg:$0x2] =	wrdreg s2  }
0xaf: {  	[dreg:$0x3] =	wrdreg s24  }
0xb0: {  	[dreg:$0x4] =	wrdreg $0x9  }
0xb1: {  	_ =	task.clear_ibuf [dreg:s7], $0x5FFFF;
	_ =	strace $0x90000046  }
0xb2: {  	s29 =	simm.s32 $0x9;
	_ =	strace $0x80000048  }
0xb3: {  	_ =	swait.ge [sflag:s29], $0x1  }
0xb4: {  	[sflag:s29] =	ssyncadd.s32 $0xFFFFFFFF  }
0xb5: {  	_ =	strace $0x90000048  }
0xb6: {  	_ =	sfence  }
0xb7: {  	s30 =	sld [smem:$0x0];
	_ =	sdelay $0x2  }
0xb8: {  	s31 =	sshll.u32 s1, $0xD;
	s1 =	sshrl.u32 s1, $0x2  }
0xb9: {  	s3 =	sand.u32 $0x4000, s31;
	s1 =	sadd.s32 s1, s30  }
0xba: {  	s0 =	sor.u32 s3, s0;
	s1 =	sshll.u32 s1, $0x11  }
0xbb: {  	s0 =	sor.u32 s1, s0  }
0xbc: {  	s0 =	sadd.s32 $0x8F2B, s0  }
0xbd: {  	[sflag:s0] =	ssyncadd.remote.s32 $0x1  }
0xbe: {  	_ =	sfence.sel $0xFFFF  }
0xbf: {  	[dreg:$0x0] =	wrdreg $0xFFFFFFFF;
	(pc) =	sbr.abs _section_cstart, $3  }
0xc0: {  	[dreg:$0x1] =	wrdreg $0xFFFFFFFF  }
0xc1: {  	_ =	task.clear_ibuf [dreg:s7], $0x2FFFF;
	_ =	strace $0x9FFFFFFF  }
0xc2: {  	(tm) =	ssettm $0x7FFFFFFF  }
0xc3: {  	_ =	shalt  }
tec
execute0_lowered:
.L_overlay_start_1:
0x0: {  	(tag) =	ssettag $0x1  }
0x1: {  	s1 =	srdreg.scid  }
0x2: {  	s0 =	stileid.u32;
	s15 =	rddreg [dreg:$0x0]  }
0x3: {  	s4 =	rddreg [dreg:$0x1];
	s2 =	simm.s32 $0x0;
	s19 =	simm.s32 $0xB00  }
0x4: {  	s20 =	simm.s32 $0x580;
	s3 =	sand.u32 $0x1, s1;
	s23 =	sshll.u32 s0, $0x1  }
0x5: {  	s21 =	simm.s32 $0xEB00;
	s1 =	rddreg [dreg:$0x2];
	s5 =	sor.u32 s3, s23  }
0x6: {  	s22 =	simm.s32 $0x1;
	[smem:$0x7FF] =	sst s2;
	s7 =	smul.u32 $0x620, s5  }
0x7: {  	s12 =	sadd.s32 $0xC00, s4;
	s3 =	ssub.s32 $0x2, s3;
	s6 =	smul.u32 $0x498, s5  }
0x8: {  	_ =	strace $0x80000047;
	s8 =	smul.u32 $0xC400, s5;
	s10 =	sshrl.u32 s3, $0x1  }
0x9: {  	s23 =	simm.s32 $0x2;
	s13 =	smul.u32 $0x24C0, s5;
	s17 =	ssub.s32 s3, s10  }
0xa: {  	s9 =	sadd.s32 $0xE0, s7;
	s3 =	sadd.s32 s15, s6;
	s4 =	sadd.s32 s12, s8  }
0xb: {  	s26 =	sadd.s32 $0xA80, s13;
	s28 =	sshll.u32 s7, $0x5;
	s30 =	sadd.s32 $0xFC0, s13  }
0xc: {  	s31 =	sadd.s32 $0x1500, s13;
	s14 =	sadd.s32 $0x1A40, s13;
	s13 =	sadd.s32 $0x1F80, s13  }
0xd: {  	s17 =	smax.u32 s17, $0x1;
	s11 =	smul.u32 $0x6, s9;
	s25 =	sshll.u32 s9, $0x5  }
0xe: {  	s29 =	sshrl.u32 s26, $0x3;
	s16 =	sadd.s32 s12, s28;
	s9 =	sshrl.u32 s30, $0x3  }
0xf: {  	s14 =	sshrl.u32 s14, $0x3;
	s18 =	sshrl.u32 s13, $0x3;
	s6 =	sadd.s32 s12, s25  }
0x10: {  	v2 =	vlaneseq.u32;
	s7 =	sadd.s32 s15, s29;
	s8 =	sadd.s32 $0x3800, s16;
	s9 =	sadd.s32 s15, s9  }
0x11: {  	v0 =	vmul.u32 $0x6, v2;
	s10 =	sadd.s32 $0x5400, s16;
	s12 =	sadd.s32 $0x7000, s16;
	s13 =	sadd.s32 s15, s14  }
0x12: {  	v1 =	vimm.f32 $0.0e+00;
	v3 =	vimm.f32 $1.000000000e+00;
	s14 =	sadd.s32 $0x8C00, s16;
	s24 =	sshrl.u32 s11, $0x3;
	s11 =	sshrl.u32 s31, $0x3  }
0x13: {  	v2 =	vmul.u32 $0x100, v2;
	v4 =	vor.u32 $0x1, v0;
	v5 =	vadd.s32 $0x2, v0;
	s16 =	sadd.s32 $0xA800, s16;
	s5 =	sadd.s32 s15, s24;
	s11 =	sadd.s32 s15, s11  }
0x14: {  	v6 =	vadd.s32 $0x3, v0;
	v7 =	vadd.s32 $0x4, v0;
	v8 =	vadd.s32 $0x5, v0;
	s15 =	sadd.s32 s15, s18;
	s18 =	simm.s32 $0x3;
	s24 =	simm.s32 $0x0  }
.LBB2_1:
0x15: {  	[tilespmem:s2], [sflag:$0x3] =	stream.linear.gather [hbm4b:s3+s2], $0x540, $0x38;
	[tilespmem:$0x1CB00] =	vst v63  }
0x16: {  	_ =	swait.ge [sflag:s18], $0x540  }
0x17: {  	[sflag:s18] =	ssyncset.done $0x0  }
0x18: {  	s25 =	simm.s32 $0x0;
	s26 =	simm.s32 $0x400;
	[sflag:s18] =	ssyncadd.s32 $0xFFFFFAC0  }
.LBB2_2:
0x19: {  	p0 =	sne.s32 s26, $0x37C00;
	[tilespmem:s25+$0xBF0] =	vst v1  }
0x1a: {  	[tilespmem:s25+$0xB00] =	vst v1  }
0x1b: {  	[tilespmem:s25+$0xB10] =	vst v1  }
0x1c: {  	[tilespmem:s25+$0xB20] =	vst v1  }
0x1d: {  	[tilespmem:s25+$0xB30] =	vst v1  }
0x1e: {  	[tilespmem:s25+$0xB40] =	vst v1  }
0x1f: {  	[tilespmem:s25+$0xB50] =	vst v1  }
0x20: {  	[tilespmem:s25+$0xB60] =	vst v1  }
0x21: {  	[tilespmem:s25+$0xB70] =	vst v1  }
0x22: {  	[tilespmem:s25+$0xB80] =	vst v1  }
0x23: {  	[tilespmem:s25+$0xB90] =	vst v1  }
.Ltmp0:
0x24: {  	[tilespmem:s25+$0xBA0] =	vst v1;
	(pc) =	sbr.rel @p0 .LBB2_2-.Ltmp0, $4  }
0x25: {  	[tilespmem:s25+$0xBB0] =	vst v1  }
0x26: {  	[tilespmem:s25+$0xBC0] =	vst v1  }
0x27: {  	[tilespmem:s25+$0xBD0] =	vst v1  }
0x28: {  	[tilespmem:s25+$0xBE0] =	vst v1;
	s25 =	sshra.s32 s26, $0x2;
	s26 =	sadd.s32 $0x400, s26  }
0x29: {  	[tilespmem:s25+$0xBF0] =	vst v1  }
0x2a: {  	[tilespmem:s25+$0xB00] =	vst v1  }
0x2b: {  	[tilespmem:s25+$0xB10] =	vst v1  }
0x2c: {  	[tilespmem:s25+$0xB20] =	vst v1  }
0x2d: {  	[tilespmem:s25+$0xB30] =	vst v1  }
0x2e: {  	[tilespmem:s25+$0xB40] =	vst v1  }
0x2f: {  	[tilespmem:s25+$0xB50] =	vst v1  }
0x30: {  	[tilespmem:s25+$0xB60] =	vst v1  }
0x31: {  	[tilespmem:s25+$0xB70] =	vst v1  }
0x32: {  	[tilespmem:s25+$0xB80] =	vst v1  }
0x33: {  	[tilespmem:s25+$0xB90] =	vst v1  }
0x34: {  	[tilespmem:s25+$0xBA0] =	vst v1  }
0x35: {  	[tilespmem:s25+$0xBB0] =	vst v1  }
0x36: {  	[tilespmem:s25+$0xBC0] =	vst v1  }
0x37: {  	[tilespmem:s25+$0xBD0] =	vst v1  }
0x38: {  	[tilespmem:s25+$0xBE0] =	vst v1;
	s25 =	simm.s32 $0x0;
	s26 =	simm.s32 $0x0  }
.LBB2_4:
0x39: {  	v9 =	vadd.s32 s25, v0;
	_ =	sdelay $0x4  }
0x3a: {  	v9 =	vld.idx.msk [tilespmem:v9+s2+$0x0], $0xffff;
	_ =	sdelay $0x1  }
0x3b: {  	v10 =	vmov s26  }
0x3c: {  	v10 =	vshll.u32 v10, $0x8  }
0x3d: {  	v10 =	vor.u32 v2, v10  }
0x3e: {  	v9 =	vadd.s32 v10, v9  }
0x3f: {  	v11 =	vadd.s32 s25, v4;
	_ =	sdelay $0x3  }
0x40: {  	[tilespmem:v9+s19+$0x0] =	vst.idx.add.f32.msk $0xffff, v3  }
0x41: {  	v9 =	vld.idx.msk [tilespmem:v11+s2+$0x0], $0xffff;
	_ =	sdelay $0x4  }
0x42: {  	v9 =	vadd.s32 v10, v9  }
0x43: {  	v11 =	vadd.s32 s25, v5;
	_ =	sdelay $0x3  }
0x44: {  	[tilespmem:v9+s19+$0x0] =	vst.idx.add.f32.msk $0xffff, v3  }
0x45: {  	v9 =	vld.idx.msk [tilespmem:v11+s2+$0x0], $0xffff;
	_ =	sdelay $0x4  }
0x46: {  	v9 =	vadd.s32 v10, v9  }
0x47: {  	v11 =	vadd.s32 s25, v6;
	_ =	sdelay $0x3  }
0x48: {  	[tilespmem:v9+s19+$0x0] =	vst.idx.add.f32.msk $0xffff, v3  }
0x49: {  	v9 =	vld.idx.msk [tilespmem:v11+s2+$0x0], $0xffff;
	_ =	sdelay $0x4  }
0x4a: {  	v9 =	vadd.s32 v10, v9  }
0x4b: {  	v11 =	vadd.s32 s25, v7;
	_ =	sdelay $0x3  }
0x4c: {  	[tilespmem:v9+s19+$0x0] =	vst.idx.add.f32.msk $0xffff, v3  }
0x4d: {  	v9 =	vld.idx.msk [tilespmem:v11+s2+$0x0], $0xffff;
	_ =	sdelay $0x4  }
0x4e: {  	v9 =	vadd.s32 v10, v9  }
0x4f: {  	v11 =	vadd.s32 s25, v8;
	_ =	sdelay $0x3  }
0x50: {  	[tilespmem:v9+s19+$0x0] =	vst.idx.add.f32.msk $0xffff, v3  }
0x51: {  	v9 =	vld.idx.msk [tilespmem:v11+s2+$0x0], $0xffff;
	_ =	sdelay $0x4  }
0x52: {  	p0 =	sne.s32 s26, $0xD0;
	v9 =	vadd.s32 v10, v9  }
.Ltmp1:
0x53: {  	_ = 	snop;
	(pc) =	sbr.rel @p0 .LBB2_4-.Ltmp1, $2  }
0x54: {  	_ =	sdelay $0x2  }
0x55: {  	s26 =	sadd.s32 $0x10, s26;
	s25 =	sadd.s32 $0x60, s25;
	[tilespmem:v9+s19+$0x0] =	vst.idx.add.f32.msk $0xffff, v3  }
0x56: {  	s25 =	simm.s32 $0x0  }
0x57: {  	[hbm4b:s4+s25] =	stream.linear.scatter [tilespmem:s19], [sflag:$0x1], $0xE000, $0x38;
	[tilespmem:$0x1CB00] =	vst v63  }
0x58: {  	_ = 	snop  }
0x59: {  	[tilespmem:s20], [sflag:$0x3] =	stream.linear.gather [hbm4b:s5+s25], $0x540, $0x38;
	[tilespmem:$0x1CB00] =	vst v63  }
0x5a: {  	_ =	swait.ge [sflag:s18], $0x540  }
0x5b: {  	[sflag:s18] =	ssyncset.done $0x0  }
0x5c: {  	s26 =	simm.s32 $0x0;
	s28 =	simm.s32 $0x400;
	[sflag:s18] =	ssyncadd.s32 $0xFFFFFAC0  }
.LBB2_6:
0x5d: {  	p0 =	sne.s32 s28, $0x37C00;
	[tilespmem:s26+$0xEBF0] =	vst v1  }
0x5e: {  	[tilespmem:s26+$0xEB00] =	vst v1  }
0x5f: {  	[tilespmem:s26+$0xEB10] =	vst v1  }
0x60: {  	[tilespmem:s26+$0xEB20] =	vst v1  }
0x61: {  	[tilespmem:s26+$0xEB30] =	vst v1  }
0x62: {  	[tilespmem:s26+$0xEB40] =	vst v1  }
0x63: {  	[tilespmem:s26+$0xEB50] =	vst v1  }
0x64: {  	[tilespmem:s26+$0xEB60] =	vst v1  }
0x65: {  	[tilespmem:s26+$0xEB70] =	vst v1  }
0x66: {  	[tilespmem:s26+$0xEB80] =	vst v1  }
0x67: {  	[tilespmem:s26+$0xEB90] =	vst v1  }
.Ltmp2:
0x68: {  	[tilespmem:s26+$0xEBA0] =	vst v1;
	(pc) =	sbr.rel @p0 .LBB2_6-.Ltmp2, $4  }
0x69: {  	[tilespmem:s26+$0xEBB0] =	vst v1  }
0x6a: {  	[tilespmem:s26+$0xEBC0] =	vst v1  }
0x6b: {  	[tilespmem:s26+$0xEBD0] =	vst v1  }
0x6c: {  	[tilespmem:s26+$0xEBE0] =	vst v1;
	s26 =	sshra.s32 s28, $0x2;
	s28 =	sadd.s32 $0x400, s28  }
0x6d: {  	[tilespmem:s26+$0xEBF0] =	vst v1  }
0x6e: {  	[tilespmem:s26+$0xEB00] =	vst v1  }
0x6f: {  	[tilespmem:s26+$0xEB10] =	vst v1  }
0x70: {  	[tilespmem:s26+$0xEB20] =	vst v1  }
0x71: {  	[tilespmem:s26+$0xEB30] =	vst v1  }
0x72: {  	[tilespmem:s26+$0xEB40] =	vst v1  }
0x73: {  	[tilespmem:s26+$0xEB50] =	vst v1  }
0x74: {  	[tilespmem:s26+$0xEB60] =	vst v1  }
0x75: {  	[tilespmem:s26+$0xEB70] =	vst v1  }
0x76: {  	[tilespmem:s26+$0xEB80] =	vst v1  }
0x77: {  	[tilespmem:s26+$0xEB90] =	vst v1  }
0x78: {  	[tilespmem:s26+$0xEBA0] =	vst v1  }
0x79: {  	[tilespmem:s26+$0xEBB0] =	vst v1  }
0x7a: {  	[tilespmem:s26+$0xEBC0] =	vst v1  }
0x7b: {  	[tilespmem:s26+$0xEBD0] =	vst v1  }
0x7c: {  	[tilespmem:s26+$0xEBE0] =	vst v1;
	s26 =	simm.s32 $0x0  }
.LBB2_8:
0x7d: {  	v9 =	vadd.s32 s25, v0;
	_ =	sdelay $0x4  }
0x7e: {  	v9 =	vld.idx.msk [tilespmem:v9+s20+$0x0], $0xffff;
	_ =	sdelay $0x1  }
0x7f: {  	v10 =	vmov s26  }
0x80: {  	v10 =	vshll.u32 v10, $0x8  }
0x81: {  	v10 =	vor.u32 v2, v10  }
0x82: {  	v9 =	vadd.s32 v10, v9  }
0x83: {  	v11 =	vadd.s32 s25, v4;
	_ =	sdelay $0x3  }
0x84: {  	[tilespmem:v9+s21+$0x0] =	vst.idx.add.f32.msk $0xffff, v3  }
0x85: {  	v9 =	vld.idx.msk [tilespmem:v11+s20+$0x0], $0xffff;
	_ =	sdelay $0x4  }
0x86: {  	v9 =	vadd.s32 v10, v9  }
0x87: {  	v11 =	vadd.s32 s25, v5;
	_ =	sdelay $0x3  }
0x88: {  	[tilespmem:v9+s21+$0x0] =	vst.idx.add.f32.msk $0xffff, v3  }
0x89: {  	v9 =	vld.idx.msk [tilespmem:v11+s20+$0x0], $0xffff;
	_ =	sdelay $0x4  }
0x8a: {  	v9 =	vadd.s32 v10, v9  }
0x8b: {  	v11 =	vadd.s32 s25, v6;
	_ =	sdelay $0x3  }
0x8c: {  	[tilespmem:v9+s21+$0x0] =	vst.idx.add.f32.msk $0xffff, v3  }
0x8d: {  	v9 =	vld.idx.msk [tilespmem:v11+s20+$0x0], $0xffff;
	_ =	sdelay $0x4  }
0x8e: {  	v9 =	vadd.s32 v10, v9  }
0x8f: {  	v11 =	vadd.s32 s25, v7;
	_ =	sdelay $0x3  }
0x90: {  	[tilespmem:v9+s21+$0x0] =	vst.idx.add.f32.msk $0xffff, v3  }
0x91: {  	v9 =	vld.idx.msk [tilespmem:v11+s20+$0x0], $0xffff;
	_ =	sdelay $0x4  }
0x92: {  	v9 =	vadd.s32 v10, v9  }
0x93: {  	v11 =	vadd.s32 s25, v8;
	_ =	sdelay $0x3  }
0x94: {  	[tilespmem:v9+s21+$0x0] =	vst.idx.add.f32.msk $0xffff, v3  }
0x95: {  	v9 =	vld.idx.msk [tilespmem:v11+s20+$0x0], $0xffff;
	_ =	sdelay $0x4  }
0x96: {  	p0 =	sne.s32 s26, $0xD0;
	v9 =	vadd.s32 v10, v9  }
.Ltmp3:
0x97: {  	_ = 	snop;
	(pc) =	sbr.rel @p0 .LBB2_8-.Ltmp3, $2  }
0x98: {  	_ =	sdelay $0x2  }
0x99: {  	s26 =	sadd.s32 $0x10, s26;
	s25 =	sadd.s32 $0x60, s25;
	[tilespmem:v9+s21+$0x0] =	vst.idx.add.f32.msk $0xffff, v3  }
0x9a: {  	s25 =	simm.s32 $0x0  }
0x9b: {  	[hbm4b:s6+s25] =	stream.linear.scatter [tilespmem:s21], [sflag:$0x2], $0xE000, $0x38;
	[tilespmem:$0x1CB00] =	vst v63  }
0x9c: {  	_ =	swait.ge [sflag:s22], $0xE000  }
0x9d: {  	[sflag:s22] =	ssyncset.done $0x0  }
0x9e: {  	[sflag:s22] =	ssyncadd.s32 $0xFFFF2000  }
0x9f: {  	[tilespmem:s25], [sflag:$0x3] =	stream.linear.gather [hbm4b:s7+s25], $0x540, $0x38;
	[tilespmem:$0x1CB00] =	vst v63  }
0xa0: {  	_ =	swait.ge [sflag:s18], $0x540  }
0xa1: {  	[sflag:s18] =	ssyncset.done $0x0  }
0xa2: {  	s26 =	simm.s32 $0x0;
	s28 =	simm.s32 $0x400;
	[sflag:s18] =	ssyncadd.s32 $0xFFFFFAC0  }
.LBB2_10:
0xa3: {  	p0 =	sne.s32 s28, $0x37C00;
	[tilespmem:s26+$0xBF0] =	vst v1  }
0xa4: {  	[tilespmem:s26+$0xB00] =	vst v1  }
0xa5: {  	[tilespmem:s26+$0xB10] =	vst v1  }
0xa6: {  	[tilespmem:s26+$0xB20] =	vst v1  }
0xa7: {  	[tilespmem:s26+$0xB30] =	vst v1  }
0xa8: {  	[tilespmem:s26+$0xB40] =	vst v1  }
0xa9: {  	[tilespmem:s26+$0xB50] =	vst v1  }
0xaa: {  	[tilespmem:s26+$0xB60] =	vst v1  }
0xab: {  	[tilespmem:s26+$0xB70] =	vst v1  }
0xac: {  	[tilespmem:s26+$0xB80] =	vst v1  }
0xad: {  	[tilespmem:s26+$0xB90] =	vst v1  }
.Ltmp4:
0xae: {  	[tilespmem:s26+$0xBA0] =	vst v1;
	(pc) =	sbr.rel @p0 .LBB2_10-.Ltmp4, $4  }
0xaf: {  	[tilespmem:s26+$0xBB0] =	vst v1  }
0xb0: {  	[tilespmem:s26+$0xBC0] =	vst v1  }
0xb1: {  	[tilespmem:s26+$0xBD0] =	vst v1  }
0xb2: {  	[tilespmem:s26+$0xBE0] =	vst v1;
	s26 =	sshra.s32 s28, $0x2;
	s28 =	sadd.s32 $0x400, s28  }
0xb3: {  	[tilespmem:s26+$0xBF0] =	vst v1  }
0xb4: {  	[tilespmem:s26+$0xB00] =	vst v1  }
0xb5: {  	[tilespmem:s26+$0xB10] =	vst v1  }
0xb6: {  	[tilespmem:s26+$0xB20] =	vst v1  }
0xb7: {  	[tilespmem:s26+$0xB30] =	vst v1  }
0xb8: {  	[tilespmem:s26+$0xB40] =	vst v1  }
0xb9: {  	[tilespmem:s26+$0xB50] =	vst v1  }
0xba: {  	[tilespmem:s26+$0xB60] =	vst v1  }
0xbb: {  	[tilespmem:s26+$0xB70] =	vst v1  }
0xbc: {  	[tilespmem:s26+$0xB80] =	vst v1  }
0xbd: {  	[tilespmem:s26+$0xB90] =	vst v1  }
0xbe: {  	[tilespmem:s26+$0xBA0] =	vst v1  }
0xbf: {  	[tilespmem:s26+$0xBB0] =	vst v1  }
0xc0: {  	[tilespmem:s26+$0xBC0] =	vst v1  }
0xc1: {  	[tilespmem:s26+$0xBD0] =	vst v1  }
0xc2: {  	[tilespmem:s26+$0xBE0] =	vst v1;
	s26 =	simm.s32 $0x0  }
.LBB2_12:
0xc3: {  	v9 =	vadd.s32 s25, v0;
	_ =	sdelay $0x4  }
0xc4: {  	v9 =	vld.idx.msk [tilespmem:v9+s2+$0x0], $0xffff;
	_ =	sdelay $0x1  }
0xc5: {  	v10 =	vmov s26  }
0xc6: {  	v10 =	vshll.u32 v10, $0x8  }
0xc7: {  	v10 =	vor.u32 v2, v10  }
0xc8: {  	v9 =	vadd.s32 v10, v9  }
0xc9: {  	v11 =	vadd.s32 s25, v4;
	_ =	sdelay $0x3  }
0xca: {  	[tilespmem:v9+s19+$0x0] =	vst.idx.add.f32.msk $0xffff, v3  }
0xcb: {  	v9 =	vld.idx.msk [tilespmem:v11+s2+$0x0], $0xffff;
	_ =	sdelay $0x4  }
0xcc: {  	v9 =	vadd.s32 v10, v9  }
0xcd: {  	v11 =	vadd.s32 s25, v5;
	_ =	sdelay $0x3  }
0xce: {  	[tilespmem:v9+s19+$0x0] =	vst.idx.add.f32.msk $0xffff, v3  }
0xcf: {  	v9 =	vld.idx.msk [tilespmem:v11+s2+$0x0], $0xffff;
	_ =	sdelay $0x4  }
0xd0: {  	v9 =	vadd.s32 v10, v9  }
0xd1: {  	v11 =	vadd.s32 s25, v6;
	_ =	sdelay $0x3  }
0xd2: {  	[tilespmem:v9+s19+$0x0] =	vst.idx.add.f32.msk $0xffff, v3  }
0xd3: {  	v9 =	vld.idx.msk [tilespmem:v11+s2+$0x0], $0xffff;
	_ =	sdelay $0x4  }
0xd4: {  	v9 =	vadd.s32 v10, v9  }
0xd5: {  	v11 =	vadd.s32 s25, v7;
	_ =	sdelay $0x3  }
0xd6: {  	[tilespmem:v9+s19+$0x0] =	vst.idx.add.f32.msk $0xffff, v3  }
0xd7: {  	v9 =	vld.idx.msk [tilespmem:v11+s2+$0x0], $0xffff;
	_ =	sdelay $0x4  }
0xd8: {  	v9 =	vadd.s32 v10, v9  }
0xd9: {  	v11 =	vadd.s32 s25, v8;
	_ =	sdelay $0x3  }
0xda: {  	[tilespmem:v9+s19+$0x0] =	vst.idx.add.f32.msk $0xffff, v3  }
0xdb: {  	v9 =	vld.idx.msk [tilespmem:v11+s2+$0x0], $0xffff;
	_ =	sdelay $0x4  }
0xdc: {  	p0 =	sne.s32 s26, $0xD0;
	v9 =	vadd.s32 v10, v9  }
.Ltmp5:
0xdd: {  	_ = 	snop;
	(pc) =	sbr.rel @p0 .LBB2_12-.Ltmp5, $2  }
0xde: {  	_ =	sdelay $0x2  }
0xdf: {  	s26 =	sadd.s32 $0x10, s26;
	s25 =	sadd.s32 $0x60, s25;
	[tilespmem:v9+s19+$0x0] =	vst.idx.add.f32.msk $0xffff, v3  }
0xe0: {  	s25 =	simm.s32 $0x0  }
0xe1: {  	[hbm4b:s8+s25] =	stream.linear.scatter [tilespmem:s19], [sflag:$0x1], $0xE000, $0x38;
	[tilespmem:$0x1CB00] =	vst v63  }
0xe2: {  	_ =	swait.ge [sflag:s23], $0xE000  }
0xe3: {  	[sflag:s23] =	ssyncset.done $0x0  }
0xe4: {  	[sflag:s23] =	ssyncadd.s32 $0xFFFF2000  }
0xe5: {  	[tilespmem:s20], [sflag:$0x3] =	stream.linear.gather [hbm4b:s9+s25], $0x540, $0x38;
	[tilespmem:$0x1CB00] =	vst v63  }
0xe6: {  	_ =	swait.ge [sflag:s18], $0x540  }
0xe7: {  	[sflag:s18] =	ssyncset.done $0x0  }
0xe8: {  	s26 =	simm.s32 $0x0;
	s28 =	simm.s32 $0x400;
	[sflag:s18] =	ssyncadd.s32 $0xFFFFFAC0  }
.LBB2_14:
0xe9: {  	p0 =	sne.s32 s28, $0x37C00;
	[tilespmem:s26+$0xEBF0] =	vst v1  }
0xea: {  	[tilespmem:s26+$0xEB00] =	vst v1  }
0xeb: {  	[tilespmem:s26+$0xEB10] =	vst v1  }
0xec: {  	[tilespmem:s26+$0xEB20] =	vst v1  }
0xed: {  	[tilespmem:s26+$0xEB30] =	vst v1  }
0xee: {  	[tilespmem:s26+$0xEB40] =	vst v1  }
0xef: {  	[tilespmem:s26+$0xEB50] =	vst v1  }
0xf0: {  	[tilespmem:s26+$0xEB60] =	vst v1  }
0xf1: {  	[tilespmem:s26+$0xEB70] =	vst v1  }
0xf2: {  	[tilespmem:s26+$0xEB80] =	vst v1  }
0xf3: {  	[tilespmem:s26+$0xEB90] =	vst v1  }
.Ltmp6:
0xf4: {  	[tilespmem:s26+$0xEBA0] =	vst v1;
	(pc) =	sbr.rel @p0 .LBB2_14-.Ltmp6, $4  }
0xf5: {  	[tilespmem:s26+$0xEBB0] =	vst v1  }
0xf6: {  	[tilespmem:s26+$0xEBC0] =	vst v1  }
0xf7: {  	[tilespmem:s26+$0xEBD0] =	vst v1  }
0xf8: {  	[tilespmem:s26+$0xEBE0] =	vst v1;
	s26 =	sshra.s32 s28, $0x2;
	s28 =	sadd.s32 $0x400, s28  }
0xf9: {  	[tilespmem:s26+$0xEBF0] =	vst v1  }
0xfa: {  	[tilespmem:s26+$0xEB00] =	vst v1  }
0xfb: {  	[tilespmem:s26+$0xEB10] =	vst v1  }
0xfc: {  	[tilespmem:s26+$0xEB20] =	vst v1  }
0xfd: {  	[tilespmem:s26+$0xEB30] =	vst v1  }
0xfe: {  	[tilespmem:s26+$0xEB40] =	vst v1  }
0xff: {  	[tilespmem:s26+$0xEB50] =	vst v1  }
0x100: {  	[tilespmem:s26+$0xEB60] =	vst v1  }
0x101: {  	[tilespmem:s26+$0xEB70] =	vst v1  }
0x102: {  	[tilespmem:s26+$0xEB80] =	vst v1  }
0x103: {  	[tilespmem:s26+$0xEB90] =	vst v1  }
0x104: {  	[tilespmem:s26+$0xEBA0] =	vst v1  }
0x105: {  	[tilespmem:s26+$0xEBB0] =	vst v1  }
0x106: {  	[tilespmem:s26+$0xEBC0] =	vst v1  }
0x107: {  	[tilespmem:s26+$0xEBD0] =	vst v1  }
0x108: {  	[tilespmem:s26+$0xEBE0] =	vst v1;
	s26 =	simm.s32 $0x0  }
.LBB2_16:
0x109: {  	v9 =	vadd.s32 s25, v0;
	_ =	sdelay $0x4  }
0x10a: {  	v9 =	vld.idx.msk [tilespmem:v9+s20+$0x0], $0xffff;
	_ =	sdelay $0x1  }
0x10b: {  	v10 =	vmov s26  }
0x10c: {  	v10 =	vshll.u32 v10, $0x8  }
0x10d: {  	v10 =	vor.u32 v2, v10  }
0x10e: {  	v9 =	vadd.s32 v10, v9  }
0x10f: {  	v11 =	vadd.s32 s25, v4;
	_ =	sdelay $0x3  }
0x110: {  	[tilespmem:v9+s21+$0x0] =	vst.idx.add.f32.msk $0xffff, v3  }
0x111: {  	v9 =	vld.idx.msk [tilespmem:v11+s20+$0x0], $0xffff;
	_ =	sdelay $0x4  }
0x112: {  	v9 =	vadd.s32 v10, v9  }
0x113: {  	v11 =	vadd.s32 s25, v5;
	_ =	sdelay $0x3  }
0x114: {  	[tilespmem:v9+s21+$0x0] =	vst.idx.add.f32.msk $0xffff, v3  }
0x115: {  	v9 =	vld.idx.msk [tilespmem:v11+s20+$0x0], $0xffff;
	_ =	sdelay $0x4  }
0x116: {  	v9 =	vadd.s32 v10, v9  }
0x117: {  	v11 =	vadd.s32 s25, v6;
	_ =	sdelay $0x3  }
0x118: {  	[tilespmem:v9+s21+$0x0] =	vst.idx.add.f32.msk $0xffff, v3  }
0x119: {  	v9 =	vld.idx.msk [tilespmem:v11+s20+$0x0], $0xffff;
	_ =	sdelay $0x4  }
0x11a: {  	v9 =	vadd.s32 v10, v9  }
0x11b: {  	v11 =	vadd.s32 s25, v7;
	_ =	sdelay $0x3  }
0x11c: {  	[tilespmem:v9+s21+$0x0] =	vst.idx.add.f32.msk $0xffff, v3  }
0x11d: {  	v9 =	vld.idx.msk [tilespmem:v11+s20+$0x0], $0xffff;
	_ =	sdelay $0x4  }
0x11e: {  	v9 =	vadd.s32 v10, v9  }
0x11f: {  	v11 =	vadd.s32 s25, v8;
	_ =	sdelay $0x3  }
0x120: {  	[tilespmem:v9+s21+$0x0] =	vst.idx.add.f32.msk $0xffff, v3  }
0x121: {  	v9 =	vld.idx.msk [tilespmem:v11+s20+$0x0], $0xffff;
	_ =	sdelay $0x4  }
0x122: {  	p0 =	sne.s32 s26, $0xD0;
	v9 =	vadd.s32 v10, v9  }
.Ltmp7:
0x123: {  	_ = 	snop;
	(pc) =	sbr.rel @p0 .LBB2_16-.Ltmp7, $2  }
0x124: {  	_ =	sdelay $0x2  }
0x125: {  	s26 =	sadd.s32 $0x10, s26;
	s25 =	sadd.s32 $0x60, s25;
	[tilespmem:v9+s21+$0x0] =	vst.idx.add.f32.msk $0xffff, v3  }
0x126: {  	s25 =	simm.s32 $0x0  }
0x127: {  	[hbm4b:s10+s25] =	stream.linear.scatter [tilespmem:s21], [sflag:$0x2], $0xE000, $0x38;
	[tilespmem:$0x1CB00] =	vst v63  }
0x128: {  	_ =	swait.ge [sflag:s22], $0xE000  }
0x129: {  	[sflag:s22] =	ssyncset.done $0x0  }
0x12a: {  	[sflag:s22] =	ssyncadd.s32 $0xFFFF2000  }
0x12b: {  	[tilespmem:s25], [sflag:$0x3] =	stream.linear.gather [hbm4b:s11+s25], $0x540, $0x38;
	[tilespmem:$0x1CB00] =	vst v63  }
0x12c: {  	_ =	swait.ge [sflag:s18], $0x540  }
0x12d: {  	[sflag:s18] =	ssyncset.done $0x0  }
0x12e: {  	s26 =	simm.s32 $0x0;
	s28 =	simm.s32 $0x400;
	[sflag:s18] =	ssyncadd.s32 $0xFFFFFAC0  }
.LBB2_18:
0x12f: {  	p0 =	sne.s32 s28, $0x37C00;
	[tilespmem:s26+$0xBF0] =	vst v1  }
0x130: {  	[tilespmem:s26+$0xB00] =	vst v1  }
0x131: {  	[tilespmem:s26+$0xB10] =	vst v1  }
0x132: {  	[tilespmem:s26+$0xB20] =	vst v1  }
0x133: {  	[tilespmem:s26+$0xB30] =	vst v1  }
0x134: {  	[tilespmem:s26+$0xB40] =	vst v1  }
0x135: {  	[tilespmem:s26+$0xB50] =	vst v1  }
0x136: {  	[tilespmem:s26+$0xB60] =	vst v1  }
0x137: {  	[tilespmem:s26+$0xB70] =	vst v1  }
0x138: {  	[tilespmem:s26+$0xB80] =	vst v1  }
0x139: {  	[tilespmem:s26+$0xB90] =	vst v1  }
.Ltmp8:
0x13a: {  	[tilespmem:s26+$0xBA0] =	vst v1;
	(pc) =	sbr.rel @p0 .LBB2_18-.Ltmp8, $4  }
0x13b: {  	[tilespmem:s26+$0xBB0] =	vst v1  }
0x13c: {  	[tilespmem:s26+$0xBC0] =	vst v1  }
0x13d: {  	[tilespmem:s26+$0xBD0] =	vst v1  }
0x13e: {  	[tilespmem:s26+$0xBE0] =	vst v1;
	s26 =	sshra.s32 s28, $0x2;
	s28 =	sadd.s32 $0x400, s28  }
0x13f: {  	[tilespmem:s26+$0xBF0] =	vst v1  }
0x140: {  	[tilespmem:s26+$0xB00] =	vst v1  }
0x141: {  	[tilespmem:s26+$0xB10] =	vst v1  }
0x142: {  	[tilespmem:s26+$0xB20] =	vst v1  }
0x143: {  	[tilespmem:s26+$0xB30] =	vst v1  }
0x144: {  	[tilespmem:s26+$0xB40] =	vst v1  }
0x145: {  	[tilespmem:s26+$0xB50] =	vst v1  }
0x146: {  	[tilespmem:s26+$0xB60] =	vst v1  }
0x147: {  	[tilespmem:s26+$0xB70] =	vst v1  }
0x148: {  	[tilespmem:s26+$0xB80] =	vst v1  }
0x149: {  	[tilespmem:s26+$0xB90] =	vst v1  }
0x14a: {  	[tilespmem:s26+$0xBA0] =	vst v1  }
0x14b: {  	[tilespmem:s26+$0xBB0] =	vst v1  }
0x14c: {  	[tilespmem:s26+$0xBC0] =	vst v1  }
0x14d: {  	[tilespmem:s26+$0xBD0] =	vst v1  }
0x14e: {  	[tilespmem:s26+$0xBE0] =	vst v1;
	s26 =	simm.s32 $0x0  }
.LBB2_20:
0x14f: {  	v9 =	vadd.s32 s25, v0;
	_ =	sdelay $0x4  }
0x150: {  	v9 =	vld.idx.msk [tilespmem:v9+s2+$0x0], $0xffff;
	_ =	sdelay $0x1  }
0x151: {  	v10 =	vmov s26  }
0x152: {  	v10 =	vshll.u32 v10, $0x8  }
0x153: {  	v10 =	vor.u32 v2, v10  }
0x154: {  	v9 =	vadd.s32 v10, v9  }
0x155: {  	v11 =	vadd.s32 s25, v4;
	_ =	sdelay $0x3  }
0x156: {  	[tilespmem:v9+s19+$0x0] =	vst.idx.add.f32.msk $0xffff, v3  }
0x157: {  	v9 =	vld.idx.msk [tilespmem:v11+s2+$0x0], $0xffff;
	_ =	sdelay $0x4  }
0x158: {  	v9 =	vadd.s32 v10, v9  }
0x159: {  	v11 =	vadd.s32 s25, v5;
	_ =	sdelay $0x3  }
0x15a: {  	[tilespmem:v9+s19+$0x0] =	vst.idx.add.f32.msk $0xffff, v3  }
0x15b: {  	v9 =	vld.idx.msk [tilespmem:v11+s2+$0x0], $0xffff;
	_ =	sdelay $0x4  }
0x15c: {  	v9 =	vadd.s32 v10, v9  }
0x15d: {  	v11 =	vadd.s32 s25, v6;
	_ =	sdelay $0x3  }
0x15e: {  	[tilespmem:v9+s19+$0x0] =	vst.idx.add.f32.msk $0xffff, v3  }
0x15f: {  	v9 =	vld.idx.msk [tilespmem:v11+s2+$0x0], $0xffff;
	_ =	sdelay $0x4  }
0x160: {  	v9 =	vadd.s32 v10, v9  }
0x161: {  	v11 =	vadd.s32 s25, v7;
	_ =	sdelay $0x3  }
0x162: {  	[tilespmem:v9+s19+$0x0] =	vst.idx.add.f32.msk $0xffff, v3  }
0x163: {  	v9 =	vld.idx.msk [tilespmem:v11+s2+$0x0], $0xffff;
	_ =	sdelay $0x4  }
0x164: {  	v9 =	vadd.s32 v10, v9  }
0x165: {  	v11 =	vadd.s32 s25, v8;
	_ =	sdelay $0x3  }
0x166: {  	[tilespmem:v9+s19+$0x0] =	vst.idx.add.f32.msk $0xffff, v3  }
0x167: {  	v9 =	vld.idx.msk [tilespmem:v11+s2+$0x0], $0xffff;
	_ =	sdelay $0x4  }
0x168: {  	p0 =	sne.s32 s26, $0xD0;
	v9 =	vadd.s32 v10, v9  }
.Ltmp9:
0x169: {  	_ = 	snop;
	(pc) =	sbr.rel @p0 .LBB2_20-.Ltmp9, $2  }
0x16a: {  	_ =	sdelay $0x2  }
0x16b: {  	s26 =	sadd.s32 $0x10, s26;
	s25 =	sadd.s32 $0x60, s25;
	[tilespmem:v9+s19+$0x0] =	vst.idx.add.f32.msk $0xffff, v3  }
0x16c: {  	s25 =	simm.s32 $0x0  }
0x16d: {  	[hbm4b:s12+s25] =	stream.linear.scatter [tilespmem:s19], [sflag:$0x1], $0xE000, $0x38;
	[tilespmem:$0x1CB00] =	vst v63  }
0x16e: {  	_ =	swait.ge [sflag:s23], $0xE000  }
0x16f: {  	[sflag:s23] =	ssyncset.done $0x0  }
0x170: {  	[sflag:s23] =	ssyncadd.s32 $0xFFFF2000  }
0x171: {  	[tilespmem:s20], [sflag:$0x3] =	stream.linear.gather [hbm4b:s13+s25], $0x540, $0x38;
	[tilespmem:$0x1CB00] =	vst v63  }
0x172: {  	_ =	swait.ge [sflag:s18], $0x540  }
0x173: {  	[sflag:s18] =	ssyncset.done $0x0  }
0x174: {  	s26 =	simm.s32 $0x0;
	s28 =	simm.s32 $0x400;
	[sflag:s18] =	ssyncadd.s32 $0xFFFFFAC0  }
.LBB2_22:
0x175: {  	p0 =	sne.s32 s28, $0x37C00;
	[tilespmem:s26+$0xEBF0] =	vst v1  }
0x176: {  	[tilespmem:s26+$0xEB00] =	vst v1  }
0x177: {  	[tilespmem:s26+$0xEB10] =	vst v1  }
0x178: {  	[tilespmem:s26+$0xEB20] =	vst v1  }
0x179: {  	[tilespmem:s26+$0xEB30] =	vst v1  }
0x17a: {  	[tilespmem:s26+$0xEB40] =	vst v1  }
0x17b: {  	[tilespmem:s26+$0xEB50] =	vst v1  }
0x17c: {  	[tilespmem:s26+$0xEB60] =	vst v1  }
0x17d: {  	[tilespmem:s26+$0xEB70] =	vst v1  }
0x17e: {  	[tilespmem:s26+$0xEB80] =	vst v1  }
0x17f: {  	[tilespmem:s26+$0xEB90] =	vst v1  }
.Ltmp10:
0x180: {  	[tilespmem:s26+$0xEBA0] =	vst v1;
	(pc) =	sbr.rel @p0 .LBB2_22-.Ltmp10, $4  }
0x181: {  	[tilespmem:s26+$0xEBB0] =	vst v1  }
0x182: {  	[tilespmem:s26+$0xEBC0] =	vst v1  }
0x183: {  	[tilespmem:s26+$0xEBD0] =	vst v1  }
0x184: {  	[tilespmem:s26+$0xEBE0] =	vst v1;
	s26 =	sshra.s32 s28, $0x2;
	s28 =	sadd.s32 $0x400, s28  }
0x185: {  	[tilespmem:s26+$0xEBF0] =	vst v1  }
0x186: {  	[tilespmem:s26+$0xEB00] =	vst v1  }
0x187: {  	[tilespmem:s26+$0xEB10] =	vst v1  }
0x188: {  	[tilespmem:s26+$0xEB20] =	vst v1  }
0x189: {  	[tilespmem:s26+$0xEB30] =	vst v1  }
0x18a: {  	[tilespmem:s26+$0xEB40] =	vst v1  }
0x18b: {  	[tilespmem:s26+$0xEB50] =	vst v1  }
0x18c: {  	[tilespmem:s26+$0xEB60] =	vst v1  }
0x18d: {  	[tilespmem:s26+$0xEB70] =	vst v1  }
0x18e: {  	[tilespmem:s26+$0xEB80] =	vst v1  }
0x18f: {  	[tilespmem:s26+$0xEB90] =	vst v1  }
0x190: {  	[tilespmem:s26+$0xEBA0] =	vst v1  }
0x191: {  	[tilespmem:s26+$0xEBB0] =	vst v1  }
0x192: {  	[tilespmem:s26+$0xEBC0] =	vst v1  }
0x193: {  	[tilespmem:s26+$0xEBD0] =	vst v1  }
0x194: {  	[tilespmem:s26+$0xEBE0] =	vst v1;
	s26 =	simm.s32 $0x0  }
.LBB2_24:
0x195: {  	v9 =	vadd.s32 s25, v0;
	_ =	sdelay $0x4  }
0x196: {  	v9 =	vld.idx.msk [tilespmem:v9+s20+$0x0], $0xffff;
	_ =	sdelay $0x1  }
0x197: {  	v10 =	vmov s26  }
0x198: {  	v10 =	vshll.u32 v10, $0x8  }
0x199: {  	v10 =	vor.u32 v2, v10  }
0x19a: {  	v9 =	vadd.s32 v10, v9  }
0x19b: {  	v11 =	vadd.s32 s25, v4;
	_ =	sdelay $0x3  }
0x19c: {  	[tilespmem:v9+s21+$0x0] =	vst.idx.add.f32.msk $0xffff, v3  }
0x19d: {  	v9 =	vld.idx.msk [tilespmem:v11+s20+$0x0], $0xffff;
	_ =	sdelay $0x4  }
0x19e: {  	v9 =	vadd.s32 v10, v9  }
0x19f: {  	v11 =	vadd.s32 s25, v5;
	_ =	sdelay $0x3  }
0x1a0: {  	[tilespmem:v9+s21+$0x0] =	vst.idx.add.f32.msk $0xffff, v3  }
0x1a1: {  	v9 =	vld.idx.msk [tilespmem:v11+s20+$0x0], $0xffff;
	_ =	sdelay $0x4  }
0x1a2: {  	v9 =	vadd.s32 v10, v9  }
0x1a3: {  	v11 =	vadd.s32 s25, v6;
	_ =	sdelay $0x3  }
0x1a4: {  	[tilespmem:v9+s21+$0x0] =	vst.idx.add.f32.msk $0xffff, v3  }
0x1a5: {  	v9 =	vld.idx.msk [tilespmem:v11+s20+$0x0], $0xffff;
	_ =	sdelay $0x4  }
0x1a6: {  	v9 =	vadd.s32 v10, v9  }
0x1a7: {  	v11 =	vadd.s32 s25, v7;
	_ =	sdelay $0x3  }
0x1a8: {  	[tilespmem:v9+s21+$0x0] =	vst.idx.add.f32.msk $0xffff, v3  }
0x1a9: {  	v9 =	vld.idx.msk [tilespmem:v11+s20+$0x0], $0xffff;
	_ =	sdelay $0x4  }
0x1aa: {  	v9 =	vadd.s32 v10, v9  }
0x1ab: {  	v11 =	vadd.s32 s25, v8;
	_ =	sdelay $0x3  }
0x1ac: {  	[tilespmem:v9+s21+$0x0] =	vst.idx.add.f32.msk $0xffff, v3  }
0x1ad: {  	v9 =	vld.idx.msk [tilespmem:v11+s20+$0x0], $0xffff;
	_ =	sdelay $0x4  }
0x1ae: {  	p0 =	sne.s32 s26, $0xD0;
	v9 =	vadd.s32 v10, v9  }
.Ltmp11:
0x1af: {  	_ = 	snop;
	(pc) =	sbr.rel @p0 .LBB2_24-.Ltmp11, $2  }
0x1b0: {  	_ =	sdelay $0x2  }
0x1b1: {  	s26 =	sadd.s32 $0x10, s26;
	s25 =	sadd.s32 $0x60, s25;
	[tilespmem:v9+s21+$0x0] =	vst.idx.add.f32.msk $0xffff, v3  }
0x1b2: {  	s25 =	simm.s32 $0x0  }
0x1b3: {  	[hbm4b:s14+s25] =	stream.linear.scatter [tilespmem:s21], [sflag:$0x2], $0xE000, $0x38;
	[tilespmem:$0x1CB00] =	vst v63  }
0x1b4: {  	_ =	swait.ge [sflag:s22], $0xE000  }
0x1b5: {  	[sflag:s22] =	ssyncset.done $0x0  }
0x1b6: {  	[sflag:s22] =	ssyncadd.s32 $0xFFFF2000  }
0x1b7: {  	[tilespmem:s25], [sflag:$0x3] =	stream.linear.gather [hbm4b:s15+s25], $0x540, $0x38;
	[tilespmem:$0x1CB00] =	vst v63  }
0x1b8: {  	_ =	swait.ge [sflag:s18], $0x540  }
0x1b9: {  	[sflag:s18] =	ssyncset.done $0x0  }
0x1ba: {  	s26 =	simm.s32 $0x0;
	s28 =	simm.s32 $0x400;
	[sflag:s18] =	ssyncadd.s32 $0xFFFFFAC0  }
.LBB2_26:
0x1bb: {  	p0 =	sne.s32 s28, $0x37C00;
	[tilespmem:s26+$0xBF0] =	vst v1  }
0x1bc: {  	[tilespmem:s26+$0xB00] =	vst v1  }
0x1bd: {  	[tilespmem:s26+$0xB10] =	vst v1  }
0x1be: {  	[tilespmem:s26+$0xB20] =	vst v1  }
0x1bf: {  	[tilespmem:s26+$0xB30] =	vst v1  }
0x1c0: {  	[tilespmem:s26+$0xB40] =	vst v1  }
0x1c1: {  	[tilespmem:s26+$0xB50] =	vst v1  }
0x1c2: {  	[tilespmem:s26+$0xB60] =	vst v1  }
0x1c3: {  	[tilespmem:s26+$0xB70] =	vst v1  }
0x1c4: {  	[tilespmem:s26+$0xB80] =	vst v1  }
0x1c5: {  	[tilespmem:s26+$0xB90] =	vst v1  }
.Ltmp12:
0x1c6: {  	[tilespmem:s26+$0xBA0] =	vst v1;
	(pc) =	sbr.rel @p0 .LBB2_26-.Ltmp12, $4  }
0x1c7: {  	[tilespmem:s26+$0xBB0] =	vst v1  }
0x1c8: {  	[tilespmem:s26+$0xBC0] =	vst v1  }
0x1c9: {  	[tilespmem:s26+$0xBD0] =	vst v1  }
0x1ca: {  	[tilespmem:s26+$0xBE0] =	vst v1;
	s26 =	sshra.s32 s28, $0x2;
	s28 =	sadd.s32 $0x400, s28  }
0x1cb: {  	[tilespmem:s26+$0xBF0] =	vst v1  }
0x1cc: {  	[tilespmem:s26+$0xB00] =	vst v1  }
0x1cd: {  	[tilespmem:s26+$0xB10] =	vst v1  }
0x1ce: {  	[tilespmem:s26+$0xB20] =	vst v1  }
0x1cf: {  	[tilespmem:s26+$0xB30] =	vst v1  }
0x1d0: {  	[tilespmem:s26+$0xB40] =	vst v1  }
0x1d1: {  	[tilespmem:s26+$0xB50] =	vst v1  }
0x1d2: {  	[tilespmem:s26+$0xB60] =	vst v1  }
0x1d3: {  	[tilespmem:s26+$0xB70] =	vst v1  }
0x1d4: {  	[tilespmem:s26+$0xB80] =	vst v1  }
0x1d5: {  	[tilespmem:s26+$0xB90] =	vst v1  }
0x1d6: {  	[tilespmem:s26+$0xBA0] =	vst v1  }
0x1d7: {  	[tilespmem:s26+$0xBB0] =	vst v1  }
0x1d8: {  	[tilespmem:s26+$0xBC0] =	vst v1  }
0x1d9: {  	[tilespmem:s26+$0xBD0] =	vst v1  }
0x1da: {  	[tilespmem:s26+$0xBE0] =	vst v1;
	s26 =	simm.s32 $0x0  }
.LBB2_28:
0x1db: {  	v9 =	vadd.s32 s25, v0;
	_ =	sdelay $0x4  }
0x1dc: {  	v9 =	vld.idx.msk [tilespmem:v9+s2+$0x0], $0xffff;
	_ =	sdelay $0x1  }
0x1dd: {  	v10 =	vmov s26  }
0x1de: {  	v10 =	vshll.u32 v10, $0x8  }
0x1df: {  	v10 =	vor.u32 v2, v10  }
0x1e0: {  	v9 =	vadd.s32 v10, v9  }
0x1e1: {  	v11 =	vadd.s32 s25, v4;
	_ =	sdelay $0x3  }
0x1e2: {  	[tilespmem:v9+s19+$0x0] =	vst.idx.add.f32.msk $0xffff, v3  }
0x1e3: {  	v9 =	vld.idx.msk [tilespmem:v11+s2+$0x0], $0xffff;
	_ =	sdelay $0x4  }
0x1e4: {  	v9 =	vadd.s32 v10, v9  }
0x1e5: {  	v11 =	vadd.s32 s25, v5;
	_ =	sdelay $0x3  }
0x1e6: {  	[tilespmem:v9+s19+$0x0] =	vst.idx.add.f32.msk $0xffff, v3  }
0x1e7: {  	v9 =	vld.idx.msk [tilespmem:v11+s2+$0x0], $0xffff;
	_ =	sdelay $0x4  }
0x1e8: {  	v9 =	vadd.s32 v10, v9  }
0x1e9: {  	v11 =	vadd.s32 s25, v6;
	_ =	sdelay $0x3  }
0x1ea: {  	[tilespmem:v9+s19+$0x0] =	vst.idx.add.f32.msk $0xffff, v3  }
0x1eb: {  	v9 =	vld.idx.msk [tilespmem:v11+s2+$0x0], $0xffff;
	_ =	sdelay $0x4  }
0x1ec: {  	v9 =	vadd.s32 v10, v9  }
0x1ed: {  	v11 =	vadd.s32 s25, v7;
	_ =	sdelay $0x3  }
0x1ee: {  	[tilespmem:v9+s19+$0x0] =	vst.idx.add.f32.msk $0xffff, v3  }
0x1ef: {  	v9 =	vld.idx.msk [tilespmem:v11+s2+$0x0], $0xffff;
	_ =	sdelay $0x4  }
0x1f0: {  	v9 =	vadd.s32 v10, v9  }
0x1f1: {  	v11 =	vadd.s32 s25, v8;
	_ =	sdelay $0x3  }
0x1f2: {  	[tilespmem:v9+s19+$0x0] =	vst.idx.add.f32.msk $0xffff, v3  }
0x1f3: {  	v9 =	vld.idx.msk [tilespmem:v11+s2+$0x0], $0xffff;
	_ =	sdelay $0x4  }
0x1f4: {  	p0 =	sne.s32 s26, $0xD0;
	v9 =	vadd.s32 v10, v9  }
.Ltmp13:
0x1f5: {  	_ = 	snop;
	(pc) =	sbr.rel @p0 .LBB2_28-.Ltmp13, $2  }
0x1f6: {  	_ =	sdelay $0x2  }
0x1f7: {  	s26 =	sadd.s32 $0x10, s26;
	s25 =	sadd.s32 $0x60, s25;
	[tilespmem:v9+s19+$0x0] =	vst.idx.add.f32.msk $0xffff, v3  }
0x1f8: {  	[hbm4b:s16+s2] =	stream.linear.scatter [tilespmem:s19], [sflag:$0x1], $0xE000, $0x38;
	[tilespmem:$0x1CB00] =	vst v63  }
0x1f9: {  	s24 =	sadd.s32 $0x1, s24  }
0x1fa: {  	_ =	swait.ge [sflag:s23], $0xE000;
	p0 =	sne.s32 s24, s17  }
.Ltmp14:
0x1fb: {  	[sflag:s23] =	ssyncset.done $0x0;
	(pc) =	sbr.rel @p0 .LBB2_1-.Ltmp14, $4  }
0x1fc: {  	[sflag:s23] =	ssyncadd.s32 $0xFFFF2000  }
0x1fd: {  	_ =	swait.ge [sflag:s22], $0xE000  }
0x1fe: {  	[sflag:s22] =	ssyncset.done $0x0  }
0x1ff: {  	[sflag:s22] =	ssyncadd.s32 $0xFFFF2000  }
0x200: {  	_ =	sfence.sel $0x180000  }
0x201: {  	[bflag:$0x0] =	sbarrier.arrive $0xFFFF  }
0x202: {  	p0 =	sne.s32 s0, $0x0;
	_ =	strace $0x90000047  }
0x203: {  	s0 =	sadd.s32 @!p0 $0x100000, s1;
	[bflag:$0x2] =	sbarrier.arrive $0xFFFF  }
0x204: {  	[sflag:s0] =	ssyncadd.tile.s32 @!p0 $0x1;
	_ =	shalt  }
.Lfunc_end2:
_tile_overlayer_lowered:
.L_overlay_start_2:
0x205: {  	(tag) =	ssettag $0x2  }
0x206: {  	s0 =	rddreg [dreg:$0x0];
	s2 =	stileid.u32  }
0x207: {  	s1 =	rddreg [dreg:$0x1];
	p0 =	sne.s32 s2, $0x0  }
0x208: {  	s3 =	rddreg [dreg:$0x2];
	[bflag:$0x3] =	sbarrier.arrive $0xFFFF;
	s2 =	simm.s32 @!p0 $0x1C03  }
0x209: {  	[timem:s3], [sflag:s2] =	dma.local @!p0 [hbm:s0], s1  }
0x20a: {  	s0 =	simm.s32 @!p0 $0x3  }
0x20b: {  	_ =	swait.ge @!p0 [sflag:s0], s1  }
0x20c: {  	s1 =	ssub.s32 @!p0 $0x0, s1;
	[sflag:s0] =	ssyncset.done @!p0 $0x0  }
0x20d: {  	[sflag:s0] =	ssyncadd.s32 @!p0 s1  }
0x20e: {  	[bflag:$0x3] =	sbarrier.arrive $0xFFFF  }
0x20f: {  	_ =	shalt  }

</sc_bundles>
